<compile_context>
chip_gen: v7x
topology: tpu7x:2x2x1
jax: 0.10.2.dev20260603
libtpu: 0.0.44.dev20260713+nightly
codegen_flags: <defaults>
</compile_context>

<pallas_src>
import jax
import jax.numpy as jnp
from jax import lax
from jax.experimental import pallas as pl
from jax.experimental.pallas import tpu as pltpu
from jax.experimental.pallas import tpu_sc as plsc

_N = 10000
_E = 320000
_D = 128
_NC = 2
_NS = 16
_NW = _NC * _NS
_G = 72
_GPT = 140
_NGP = _NW * _GPT
_EP = _NGP * _G
_NB = 5
_RPT = 624
_REM = _N - _NS * _RPT
_LANES = 16


def _scale_group(rows, wv):
    @pl.loop(0, _G)
    def _(e):
        w16 = plsc.load_gather(wv, [jnp.full((_LANES,), 0, jnp.int32) + e])
        for r in range(_D // _LANES):
            sl = pl.ds(r * _LANES, _LANES)
            rows[e, sl] = rows[e, sl] * w16


def _sc_body(dst_hbm, src_hbm, w_hbm, x_hbm, out_hbm, acc, *bufs):
    bufs = [tuple(bufs[i * 8:(i + 1) * 8]) for i in range(_NB)]
    cid = lax.axis_index("c")
    sid = lax.axis_index("s")
    wid = sid * _NC + cid
    g0 = wid * _GPT

    zrows = bufs[4][3]


    def start_fetch_src(j, b):
        (srci, dsti, wv, rows, sem_src, sem_dw, sem_g, sem_s) = b
        pltpu.async_copy(src_hbm.at[pl.ds((g0 + j) * _G, _G)], srci, sem_src)

    def wait_fetch_src(j, b):
        (srci, dsti, wv, rows, sem_src, sem_dw, sem_g, sem_s) = b
        pltpu.make_async_copy(src_hbm.at[pl.ds((g0 + j) * _G, _G)],
                              srci, sem_src).wait()

    def start_fetch_dw(j, b):
        (srci, dsti, wv, rows, sem_src, sem_dw, sem_g, sem_s) = b
        pltpu.async_copy(dst_hbm.at[pl.ds((g0 + j) * _G, _G)], dsti, sem_dw)
        pltpu.async_copy(w_hbm.at[pl.ds((g0 + j) * _G, _G)], wv, sem_dw)

    def wait_fetch_dw(j, b):
        (srci, dsti, wv, rows, sem_src, sem_dw, sem_g, sem_s) = b
        pltpu.make_async_copy(dst_hbm.at[pl.ds((g0 + j) * _G, _G)],
                              dsti, sem_dw).wait()
        pltpu.make_async_copy(w_hbm.at[pl.ds((g0 + j) * _G, _G)],
                              wv, sem_dw).wait()

    def start_gather(b):
        (srci, dsti, wv, rows, sem_src, sem_dw, sem_g, sem_s) = b
        pltpu.async_copy(x_hbm.at[srci], rows, sem_g)

    def wait_gather(b):
        (srci, dsti, wv, rows, sem_src, sem_dw, sem_g, sem_s) = b
        pltpu.make_async_copy(x_hbm.at[srci], rows, sem_g).wait()

    def start_scatter(b):
        (srci, dsti, wv, rows, sem_src, sem_dw, sem_g, sem_s) = b
        pltpu.async_copy(rows, acc.at[dsti], sem_s, add=True)

    def wait_scatter(b):
        (srci, dsti, wv, rows, sem_src, sem_dw, sem_g, sem_s) = b
        pltpu.make_async_copy(rows, acc.at[dsti], sem_s).wait()

    def phase(j, bufs_rot):
        bX, bN1, bN2, bN3, bN4 = bufs_rot

        @pl.when(j + 3 < _GPT)
        def _():
            wait_fetch_src(j + 3, bN3)
            start_gather(bN3)

        wait_gather(bX)

        @pl.when(j + 4 < _GPT)
        def _():
            start_fetch_src(j + 4, bN4)

        wait_fetch_dw(j, bX)
        _scale_group(bX[3], bX[2])
        start_scatter(bX)

        @pl.when(j > 0)
        def _():
            wait_scatter(bN4)

        @pl.when(j + 4 < _GPT)
        def _():
            start_fetch_dw(j + 4, bN4)


    for p in range(4):
        start_fetch_src(p, bufs[p])
        start_fetch_dw(p, bufs[p])
    for p in range(3):
        wait_fetch_src(p, bufs[p])
        start_gather(bufs[p])

    @pl.loop(0, _G)
    def _(r):
        for d in range(0, _D, _LANES):
            zrows[r, pl.ds(d, _LANES)] = jnp.zeros((_LANES,), jnp.float32)

    base_row = sid * _RPT
    _NZ = _RPT // _G
    _TAIL = _RPT - _NZ * _G

    @pl.loop(0, _NZ)
    def _(i):
        pltpu.sync_copy(zrows, acc.at[pl.ds(base_row + i * _G, _G)])

    pltpu.sync_copy(zrows.at[pl.ds(0, _TAIL)],
                    acc.at[pl.ds(base_row + _NZ * _G, _TAIL)])

    @pl.when(sid == _NS - 1)
    def _():
        pltpu.sync_copy(zrows.at[pl.ds(0, _REM)],
                        acc.at[pl.ds(_NS * _RPT, _REM)])

    plsc.subcore_barrier()

    @pl.loop(0, _GPT, step=_NB)
    def _(i):
        for p in range(_NB):
            phase(i + p, tuple(bufs[(p + q) % _NB] for q in range(_NB)))

    wait_scatter(bufs[(_GPT - 1) % _NB])

    plsc.subcore_barrier()
    pltpu.sync_copy(acc.at[pl.ds(base_row, _RPT)],
                    out_hbm.at[cid, pl.ds(base_row, _RPT)])

    @pl.when(sid == _NS - 1)
    def _():
        pltpu.sync_copy(acc.at[pl.ds(_NS * _RPT, _REM)],
                        out_hbm.at[cid, pl.ds(_NS * _RPT, _REM)])


def _tc_add_body(p_ref, o_ref):
    o_ref[...] = p_ref[0] + p_ref[1]


def _combine_partials(partials):
    return pl.pallas_call(
        _tc_add_body,
        grid=(10,),
        in_specs=[pl.BlockSpec((2, _N // 10, _D), lambda i: (0, i, 0))],
        out_specs=pl.BlockSpec((_N // 10, _D), lambda i: (i, 0)),
        out_shape=jax.ShapeDtypeStruct((_N, _D), jnp.float32),
    )(partials)


@jax.jit
def kernel(t, x, edge_index, edge_weight):
    npad = _EP - _E
    pad_idx = (jnp.arange(npad, dtype=jnp.int32) * 37) % _N
    dst = jnp.concatenate([edge_index[0], pad_idx])
    src = jnp.concatenate([edge_index[1], pad_idx])
    w = jnp.concatenate([edge_weight, jnp.zeros((npad,), jnp.float32)])

    mesh = plsc.VectorSubcoreMesh(core_axis_name="c", subcore_axis_name="s")
    buf_types = []
    for _ in range(_NB):
        buf_types += [
            pltpu.VMEM((_G,), jnp.int32),
            pltpu.VMEM((_G,), jnp.int32),
            pltpu.VMEM((_G,), jnp.float32),
            pltpu.VMEM((_G, _D), jnp.float32),
            pltpu.SemaphoreType.DMA,
            pltpu.SemaphoreType.DMA,
            pltpu.SemaphoreType.DMA,
            pltpu.SemaphoreType.DMA,
        ]
    spmm = pl.kernel(
        _sc_body,
        out_type=jax.ShapeDtypeStruct((_NC, _N, _D), jnp.float32),
        mesh=mesh,
        compiler_params=pltpu.CompilerParams(needs_layout_passes=False),
        scratch_types=[pltpu.VMEM_SHARED((_N, _D), jnp.float32)] + buf_types,
    )
    partials = spmm(dst, src, w, x)
    return _combine_partials(partials)

# --- scband reference (transcript-rebuilt; emitter-appended) ---
"""Pipeline reference for scband-odefunction-14946486190216 (READ-ONLY COPY).

The authoritative reference and input builder live on the scoring server;
editing this copy changes nothing except your own understanding.
"""

import jax, jax.numpy as jnp
import numpy as np

N = 10000
E = 320000
D = 128


def setup_inputs(seed: int = 0) -> dict:
    key = jax.random.key(seed)
    k1, k2, k3 = jax.random.split(key, 3)
    x = jax.random.normal(k1, (N, D), dtype=jnp.float32)
    edge_index = jax.random.randint(k2, (2, E), 0, N, dtype=jnp.int32)
    edge_weight = jax.random.uniform(k3, (E,), dtype=jnp.float32)
    t = jnp.zeros((), dtype=jnp.float32)
    return {"t": t, "x": x, "edge_index": edge_index, "edge_weight": edge_weight}


def reference(t, x, edge_index, edge_weight):
    # torch.sparse.mm(G, x) with G given in COO form:
    # G[dst, src] = edge_weight  ->  out[dst] = sum_{e: dst(e)=dst} w_e * x[src(e)]
    dst = edge_index[0]
    src = edge_index[1]
    msgs = edge_weight[:, None] * jnp.take(x, src, axis=0)
    out = jax.ops.segment_sum(msgs, dst, num_segments=N)
    return out

if __name__ == "__main__":
    import jax
    _d = setup_inputs()
    print(jax.jit(kernel)(*tuple(_d.values())))

</pallas_src>

<mosaic_0001>
#map = affine_map<(d0, d1) -> (0)>
#map1 = affine_map<(d0, d1) -> (0, 0)>
#map2 = affine_map<(d0, d1) -> (0, 0, 0)>
module attributes {stable_mosaic.version = 14 : i64} {
  func.func @_sc_body(%arg0: i32, %arg1: i32, %arg2: memref<322560xi32, #tpu.memory_space<hbm>>, %arg3: memref<322560xi32, #tpu.memory_space<hbm>>, %arg4: memref<322560xf32, #tpu.memory_space<hbm>>, %arg5: memref<10000x128xf32, #tpu.memory_space<hbm>>, %arg6: memref<2x10000x128xf32, #tpu.memory_space<hbm>>, %arg7: memref<10000x128xf32, #tpu.memory_space<vmem_shared>>, %arg8: memref<72xi32, #tpu.memory_space<vmem>>, %arg9: memref<72xi32, #tpu.memory_space<vmem>>, %arg10: memref<72xf32, #tpu.memory_space<vmem>>, %arg11: memref<72x128xf32, #tpu.memory_space<vmem>>, %arg12: memref<!tpu.dma_semaphore, #tpu.memory_space<semaphore_mem>>, %arg13: memref<!tpu.dma_semaphore, #tpu.memory_space<semaphore_mem>>, %arg14: memref<!tpu.dma_semaphore, #tpu.memory_space<semaphore_mem>>, %arg15: memref<!tpu.dma_semaphore, #tpu.memory_space<semaphore_mem>>, %arg16: memref<72xi32, #tpu.memory_space<vmem>>, %arg17: memref<72xi32, #tpu.memory_space<vmem>>, %arg18: memref<72xf32, #tpu.memory_space<vmem>>, %arg19: memref<72x128xf32, #tpu.memory_space<vmem>>, %arg20: memref<!tpu.dma_semaphore, #tpu.memory_space<semaphore_mem>>, %arg21: memref<!tpu.dma_semaphore, #tpu.memory_space<semaphore_mem>>, %arg22: memref<!tpu.dma_semaphore, #tpu.memory_space<semaphore_mem>>, %arg23: memref<!tpu.dma_semaphore, #tpu.memory_space<semaphore_mem>>, %arg24: memref<72xi32, #tpu.memory_space<vmem>>, %arg25: memref<72xi32, #tpu.memory_space<vmem>>, %arg26: memref<72xf32, #tpu.memory_space<vmem>>, %arg27: memref<72x128xf32, #tpu.memory_space<vmem>>, %arg28: memref<!tpu.dma_semaphore, #tpu.memory_space<semaphore_mem>>, %arg29: memref<!tpu.dma_semaphore, #tpu.memory_space<semaphore_mem>>, %arg30: memref<!tpu.dma_semaphore, #tpu.memory_space<semaphore_mem>>, %arg31: memref<!tpu.dma_semaphore, #tpu.memory_space<semaphore_mem>>, %arg32: memref<72xi32, #tpu.memory_space<vmem>>, %arg33: memref<72xi32, #tpu.memory_space<vmem>>, %arg34: memref<72xf32, #tpu.memory_space<vmem>>, %arg35: memref<72x128xf32, #tpu.memory_space<vmem>>, %arg36: memref<!tpu.dma_semaphore, #tpu.memory_space<semaphore_mem>>, %arg37: memref<!tpu.dma_semaphore, #tpu.memory_space<semaphore_mem>>, %arg38: memref<!tpu.dma_semaphore, #tpu.memory_space<semaphore_mem>>, %arg39: memref<!tpu.dma_semaphore, #tpu.memory_space<semaphore_mem>>, %arg40: memref<72xi32, #tpu.memory_space<vmem>>, %arg41: memref<72xi32, #tpu.memory_space<vmem>>, %arg42: memref<72xf32, #tpu.memory_space<vmem>>, %arg43: memref<72x128xf32, #tpu.memory_space<vmem>>, %arg44: memref<!tpu.dma_semaphore, #tpu.memory_space<semaphore_mem>>, %arg45: memref<!tpu.dma_semaphore, #tpu.memory_space<semaphore_mem>>, %arg46: memref<!tpu.dma_semaphore, #tpu.memory_space<semaphore_mem>>, %arg47: memref<!tpu.dma_semaphore, #tpu.memory_space<semaphore_mem>>) attributes {dimension_semantics = [#tpu.dimension_semantics<core_parallel>, #tpu.dimension_semantics<subcore_parallel>], iteration_bounds = array<i64: 2, 16>, scalar_prefetch = 0 : i64, scratch_operands = 41 : i64, tpu.core_type = #tpu.core_type<sc_vector_subcore>, window_params = [{transform_indices = #map}, {transform_indices = #map}, {transform_indices = #map}, {transform_indices = #map1}, {transform_indices = #map2}]} {
    %mul3A = arith.constant 2 : i32
    %mul3A_0 = arith.muli %arg1, %mul3A : i32
    %add3A = arith.addi %mul3A_0, %arg0 : i32
    %mul3A_1 = arith.constant 140 : i32
    %mul3A_2 = arith.muli %add3A, %mul3A_1 : i32
    %add3A_3 = arith.constant 0 : i32
    %add3A_4 = arith.addi %mul3A_2, %add3A_3 : i32
    %mul3A_5 = arith.constant 72 : i32
    %mul3A_6 = arith.muli %add3A_4, %mul3A_5 : i32
    %dma_start3A = tpu.memref_slice %arg3[%mul3A_6] : memref<322560xi32, #tpu.memory_space<hbm>> -> memref<72xi32, #tpu.memory_space<hbm>>
    %dma_start3A_7 = tpu.memref_slice %arg3[%mul3A_6] : memref<322560xi32, #tpu.memory_space<hbm>> -> memref<72xi32, #tpu.memory_space<hbm>>
    tpu.enqueue_dma source(%dma_start3A_7 : memref<72xi32, #tpu.memory_space<hbm>>) target(%arg8 : memref<72xi32, #tpu.memory_space<vmem>>) target_semaphore(%arg12 : memref<!tpu.dma_semaphore, #tpu.memory_space<semaphore_mem>>)
    %add3A_8 = arith.constant 0 : i32
    %add3A_9 = arith.addi %mul3A_2, %add3A_8 : i32
    %mul3A_10 = arith.constant 72 : i32
    %mul3A_11 = arith.muli %add3A_9, %mul3A_10 : i32
    %dma_start3A_12 = tpu.memref_slice %arg2[%mul3A_11] : memref<322560xi32, #tpu.memory_space<hbm>> -> memref<72xi32, #tpu.memory_space<hbm>>
    %dma_start3A_13 = tpu.memref_slice %arg2[%mul3A_11] : memref<322560xi32, #tpu.memory_space<hbm>> -> memref<72xi32, #tpu.memory_space<hbm>>
    tpu.enqueue_dma source(%dma_start3A_13 : memref<72xi32, #tpu.memory_space<hbm>>) target(%arg9 : memref<72xi32, #tpu.memory_space<vmem>>) target_semaphore(%arg13 : memref<!tpu.dma_semaphore, #tpu.memory_space<semaphore_mem>>)
    %add3A_14 = arith.constant 0 : i32
    %add3A_15 = arith.addi %mul3A_2, %add3A_14 : i32
    %mul3A_16 = arith.constant 72 : i32
    %mul3A_17 = arith.muli %add3A_15, %mul3A_16 : i32
    %dma_start3A_18 = tpu.memref_slice %arg4[%mul3A_17] : memref<322560xf32, #tpu.memory_space<hbm>> -> memref<72xf32, #tpu.memory_space<hbm>>
    %dma_start3A_19 = tpu.memref_slice %arg4[%mul3A_17] : memref<322560xf32, #tpu.memory_space<hbm>> -> memref<72xf32, #tpu.memory_space<hbm>>
    tpu.enqueue_dma source(%dma_start3A_19 : memref<72xf32, #tpu.memory_space<hbm>>) target(%arg10 : memref<72xf32, #tpu.memory_space<vmem>>) target_semaphore(%arg13 : memref<!tpu.dma_semaphore, #tpu.memory_space<semaphore_mem>>)
    %add3A_20 = arith.constant 1 : i32
    %add3A_21 = arith.addi %mul3A_2, %add3A_20 : i32
    %mul3A_22 = arith.constant 72 : i32
    %mul3A_23 = arith.muli %add3A_21, %mul3A_22 : i32
    %dma_start3A_24 = tpu.memref_slice %arg3[%mul3A_23] : memref<322560xi32, #tpu.memory_space<hbm>> -> memref<72xi32, #tpu.memory_space<hbm>>
    %dma_start3A_25 = tpu.memref_slice %arg3[%mul3A_23] : memref<322560xi32, #tpu.memory_space<hbm>> -> memref<72xi32, #tpu.memory_space<hbm>>
    tpu.enqueue_dma source(%dma_start3A_25 : memref<72xi32, #tpu.memory_space<hbm>>) target(%arg16 : memref<72xi32, #tpu.memory_space<vmem>>) target_semaphore(%arg20 : memref<!tpu.dma_semaphore, #tpu.memory_space<semaphore_mem>>)
    %add3A_26 = arith.constant 1 : i32
    %add3A_27 = arith.addi %mul3A_2, %add3A_26 : i32
    %mul3A_28 = arith.constant 72 : i32
    %mul3A_29 = arith.muli %add3A_27, %mul3A_28 : i32
    %dma_start3A_30 = tpu.memref_slice %arg2[%mul3A_29] : memref<322560xi32, #tpu.memory_space<hbm>> -> memref<72xi32, #tpu.memory_space<hbm>>
    %dma_start3A_31 = tpu.memref_slice %arg2[%mul3A_29] : memref<322560xi32, #tpu.memory_space<hbm>> -> memref<72xi32, #tpu.memory_space<hbm>>
    tpu.enqueue_dma source(%dma_start3A_31 : memref<72xi32, #tpu.memory_space<hbm>>) target(%arg17 : memref<72xi32, #tpu.memory_space<vmem>>) target_semaphore(%arg21 : memref<!tpu.dma_semaphore, #tpu.memory_space<semaphore_mem>>)
    %add3A_32 = arith.constant 1 : i32
    %add3A_33 = arith.addi %mul3A_2, %add3A_32 : i32
    %mul3A_34 = arith.constant 72 : i32
    %mul3A_35 = arith.muli %add3A_33, %mul3A_34 : i32
    %dma_start3A_36 = tpu.memref_slice %arg4[%mul3A_35] : memref<322560xf32, #tpu.memory_space<hbm>> -> memref<72xf32, #tpu.memory_space<hbm>>
    %dma_start3A_37 = tpu.memref_slice %arg4[%mul3A_35] : memref<322560xf32, #tpu.memory_space<hbm>> -> memref<72xf32, #tpu.memory_space<hbm>>
    tpu.enqueue_dma source(%dma_start3A_37 : memref<72xf32, #tpu.memory_space<hbm>>) target(%arg18 : memref<72xf32, #tpu.memory_space<vmem>>) target_semaphore(%arg21 : memref<!tpu.dma_semaphore, #tpu.memory_space<semaphore_mem>>)
    %add3A_38 = arith.constant 2 : i32
    %add3A_39 = arith.addi %mul3A_2, %add3A_38 : i32
    %mul3A_40 = arith.constant 72 : i32
    %mul3A_41 = arith.muli %add3A_39, %mul3A_40 : i32
    %dma_start3A_42 = tpu.memref_slice %arg3[%mul3A_41] : memref<322560xi32, #tpu.memory_space<hbm>> -> memref<72xi32, #tpu.memory_space<hbm>>
    %dma_start3A_43 = tpu.memref_slice %arg3[%mul3A_41] : memref<322560xi32, #tpu.memory_space<hbm>> -> memref<72xi32, #tpu.memory_space<hbm>>
    tpu.enqueue_dma source(%dma_start3A_43 : memref<72xi32, #tpu.memory_space<hbm>>) target(%arg24 : memref<72xi32, #tpu.memory_space<vmem>>) target_semaphore(%arg28 : memref<!tpu.dma_semaphore, #tpu.memory_space<semaphore_mem>>)
    %add3A_44 = arith.constant 2 : i32
    %add3A_45 = arith.addi %mul3A_2, %add3A_44 : i32
    %mul3A_46 = arith.constant 72 : i32
    %mul3A_47 = arith.muli %add3A_45, %mul3A_46 : i32
    %dma_start3A_48 = tpu.memref_slice %arg2[%mul3A_47] : memref<322560xi32, #tpu.memory_space<hbm>> -> memref<72xi32, #tpu.memory_space<hbm>>
    %dma_start3A_49 = tpu.memref_slice %arg2[%mul3A_47] : memref<322560xi32, #tpu.memory_space<hbm>> -> memref<72xi32, #tpu.memory_space<hbm>>
    tpu.enqueue_dma source(%dma_start3A_49 : memref<72xi32, #tpu.memory_space<hbm>>) target(%arg25 : memref<72xi32, #tpu.memory_space<vmem>>) target_semaphore(%arg29 : memref<!tpu.dma_semaphore, #tpu.memory_space<semaphore_mem>>)
    %add3A_50 = arith.constant 2 : i32
    %add3A_51 = arith.addi %mul3A_2, %add3A_50 : i32
    %mul3A_52 = arith.constant 72 : i32
    %mul3A_53 = arith.muli %add3A_51, %mul3A_52 : i32
    %dma_start3A_54 = tpu.memref_slice %arg4[%mul3A_53] : memref<322560xf32, #tpu.memory_space<hbm>> -> memref<72xf32, #tpu.memory_space<hbm>>
    %dma_start3A_55 = tpu.memref_slice %arg4[%mul3A_53] : memref<322560xf32, #tpu.memory_space<hbm>> -> memref<72xf32, #tpu.memory_space<hbm>>
    tpu.enqueue_dma source(%dma_start3A_55 : memref<72xf32, #tpu.memory_space<hbm>>) target(%arg26 : memref<72xf32, #tpu.memory_space<vmem>>) target_semaphore(%arg29 : memref<!tpu.dma_semaphore, #tpu.memory_space<semaphore_mem>>)
    %add3A_56 = arith.constant 3 : i32
    %add3A_57 = arith.addi %mul3A_2, %add3A_56 : i32
    %mul3A_58 = arith.constant 72 : i32
    %mul3A_59 = arith.muli %add3A_57, %mul3A_58 : i32
    %dma_start3A_60 = tpu.memref_slice %arg3[%mul3A_59] : memref<322560xi32, #tpu.memory_space<hbm>> -> memref<72xi32, #tpu.memory_space<hbm>>
    %dma_start3A_61 = tpu.memref_slice %arg3[%mul3A_59] : memref<322560xi32, #tpu.memory_space<hbm>> -> memref<72xi32, #tpu.memory_space<hbm>>
    tpu.enqueue_dma source(%dma_start3A_61 : memref<72xi32, #tpu.memory_space<hbm>>) target(%arg32 : memref<72xi32, #tpu.memory_space<vmem>>) target_semaphore(%arg36 : memref<!tpu.dma_semaphore, #tpu.memory_space<semaphore_mem>>)
    %add3A_62 = arith.constant 3 : i32
    %add3A_63 = arith.addi %mul3A_2, %add3A_62 : i32
    %mul3A_64 = arith.constant 72 : i32
    %mul3A_65 = arith.muli %add3A_63, %mul3A_64 : i32
    %dma_start3A_66 = tpu.memref_slice %arg2[%mul3A_65] : memref<322560xi32, #tpu.memory_space<hbm>> -> memref<72xi32, #tpu.memory_space<hbm>>
    %dma_start3A_67 = tpu.memref_slice %arg2[%mul3A_65] : memref<322560xi32, #tpu.memory_space<hbm>> -> memref<72xi32, #tpu.memory_space<hbm>>
    tpu.enqueue_dma source(%dma_start3A_67 : memref<72xi32, #tpu.memory_space<hbm>>) target(%arg33 : memref<72xi32, #tpu.memory_space<vmem>>) target_semaphore(%arg37 : memref<!tpu.dma_semaphore, #tpu.memory_space<semaphore_mem>>)
    %add3A_68 = arith.constant 3 : i32
    %add3A_69 = arith.addi %mul3A_2, %add3A_68 : i32
    %mul3A_70 = arith.constant 72 : i32
    %mul3A_71 = arith.muli %add3A_69, %mul3A_70 : i32
    %dma_start3A_72 = tpu.memref_slice %arg4[%mul3A_71] : memref<322560xf32, #tpu.memory_space<hbm>> -> memref<72xf32, #tpu.memory_space<hbm>>
    %dma_start3A_73 = tpu.memref_slice %arg4[%mul3A_71] : memref<322560xf32, #tpu.memory_space<hbm>> -> memref<72xf32, #tpu.memory_space<hbm>>
    tpu.enqueue_dma source(%dma_start3A_73 : memref<72xf32, #tpu.memory_space<hbm>>) target(%arg34 : memref<72xf32, #tpu.memory_space<vmem>>) target_semaphore(%arg37 : memref<!tpu.dma_semaphore, #tpu.memory_space<semaphore_mem>>)
    %add3A_74 = arith.constant 0 : i32
    %add3A_75 = arith.addi %mul3A_2, %add3A_74 : i32
    %mul3A_76 = arith.constant 72 : i32
    %mul3A_77 = arith.muli %add3A_75, %mul3A_76 : i32
    %dma_wait3A = tpu.memref_slice %arg3[%mul3A_77] : memref<322560xi32, #tpu.memory_space<hbm>> -> memref<72xi32, #tpu.memory_space<hbm>>
    %dma_wait3A_78 = tpu.memref_slice %arg3[%mul3A_77] : memref<322560xi32, #tpu.memory_space<hbm>> -> memref<72xi32, #tpu.memory_space<hbm>>
    tpu.wait_dma2 semaphore(%arg12 : memref<!tpu.dma_semaphore, #tpu.memory_space<semaphore_mem>>) src(%dma_wait3A_78 : memref<72xi32, #tpu.memory_space<hbm>>) dst(%arg8 : memref<72xi32, #tpu.memory_space<vmem>>)
    %dma_start3A_79 = arith.constant 0 : i32
    %dma_start3A_80 = arith.constant 0 : i32
    %dma_start3A_81 = tpu.memref_slice %arg5[%dma_start3A_79, %dma_start3A_80] : memref<10000x128xf32, #tpu.memory_space<hbm>> -> memref<10000x128xf32, #tpu.memory_space<hbm>>
    tpu.enqueue_indirect_dma source(%dma_start3A_81 : memref<10000x128xf32, #tpu.memory_space<hbm>>) target(%arg11 : memref<72x128xf32, #tpu.memory_space<vmem>>) offsets(%arg8 : memref<72xi32, #tpu.memory_space<vmem>>) semaphore(%arg14 : memref<!tpu.dma_semaphore, #tpu.memory_space<semaphore_mem>>)
    %add3A_82 = arith.constant 1 : i32
    %add3A_83 = arith.addi %mul3A_2, %add3A_82 : i32
    %mul3A_84 = arith.constant 72 : i32
    %mul3A_85 = arith.muli %add3A_83, %mul3A_84 : i32
    %dma_wait3A_86 = tpu.memref_slice %arg3[%mul3A_85] : memref<322560xi32, #tpu.memory_space<hbm>> -> memref<72xi32, #tpu.memory_space<hbm>>
    %dma_wait3A_87 = tpu.memref_slice %arg3[%mul3A_85] : memref<322560xi32, #tpu.memory_space<hbm>> -> memref<72xi32, #tpu.memory_space<hbm>>
    tpu.wait_dma2 semaphore(%arg20 : memref<!tpu.dma_semaphore, #tpu.memory_space<semaphore_mem>>) src(%dma_wait3A_87 : memref<72xi32, #tpu.memory_space<hbm>>) dst(%arg16 : memref<72xi32, #tpu.memory_space<vmem>>)
    %dma_start3A_88 = arith.constant 0 : i32
    %dma_start3A_89 = arith.constant 0 : i32
    %dma_start3A_90 = tpu.memref_slice %arg5[%dma_start3A_88, %dma_start3A_89] : memref<10000x128xf32, #tpu.memory_space<hbm>> -> memref<10000x128xf32, #tpu.memory_space<hbm>>
    tpu.enqueue_indirect_dma source(%dma_start3A_90 : memref<10000x128xf32, #tpu.memory_space<hbm>>) target(%arg19 : memref<72x128xf32, #tpu.memory_space<vmem>>) offsets(%arg16 : memref<72xi32, #tpu.memory_space<vmem>>) semaphore(%arg22 : memref<!tpu.dma_semaphore, #tpu.memory_space<semaphore_mem>>)
    %add3A_91 = arith.constant 2 : i32
    %add3A_92 = arith.addi %mul3A_2, %add3A_91 : i32
    %mul3A_93 = arith.constant 72 : i32
    %mul3A_94 = arith.muli %add3A_92, %mul3A_93 : i32
    %dma_wait3A_95 = tpu.memref_slice %arg3[%mul3A_94] : memref<322560xi32, #tpu.memory_space<hbm>> -> memref<72xi32, #tpu.memory_space<hbm>>
    %dma_wait3A_96 = tpu.memref_slice %arg3[%mul3A_94] : memref<322560xi32, #tpu.memory_space<hbm>> -> memref<72xi32, #tpu.memory_space<hbm>>
    tpu.wait_dma2 semaphore(%arg28 : memref<!tpu.dma_semaphore, #tpu.memory_space<semaphore_mem>>) src(%dma_wait3A_96 : memref<72xi32, #tpu.memory_space<hbm>>) dst(%arg24 : memref<72xi32, #tpu.memory_space<vmem>>)
    %dma_start3A_97 = arith.constant 0 : i32
    %dma_start3A_98 = arith.constant 0 : i32
    %dma_start3A_99 = tpu.memref_slice %arg5[%dma_start3A_97, %dma_start3A_98] : memref<10000x128xf32, #tpu.memory_space<hbm>> -> memref<10000x128xf32, #tpu.memory_space<hbm>>
    tpu.enqueue_indirect_dma source(%dma_start3A_99 : memref<10000x128xf32, #tpu.memory_space<hbm>>) target(%arg27 : memref<72x128xf32, #tpu.memory_space<vmem>>) offsets(%arg24 : memref<72xi32, #tpu.memory_space<vmem>>) semaphore(%arg30 : memref<!tpu.dma_semaphore, #tpu.memory_space<semaphore_mem>>)
    %scan3A = arith.constant 0 : i32
    %scan3A_100 = arith.constant 72 : i32
    %scan3A_101 = arith.addi %scan3A, %scan3A_100 : i32
    %scan3A_102 = arith.constant 1 : i32
    scf.for %scan3A_129 = %scan3A to %scan3A_101 step %scan3A_102  : i32 {
      %mul3A_130 = arith.constant 1 : i32
      %mul3A_131 = arith.muli %scan3A_129, %mul3A_130 : i32
      %add3A_132 = arith.constant 0 : i32
      %add3A_133 = arith.addi %add3A_132, %mul3A_131 : i32
      %broadcast_in_dim3A = arith.constant 0.000000e+00 : f32
      %broadcast_in_dim3A_134 = vector.broadcast %broadcast_in_dim3A : f32 to vector<16xf32>
      %swap3A = arith.index_cast %add3A_133 : i32 to index
      %swap3A_135 = arith.constant 0 : index
      %swap3A_136 = tpu.vector_load %arg43[%swap3A, %swap3A_135] {strides = array<i32>} : memref<72x128xf32, #tpu.memory_space<vmem>>, vector<16xf32>,
      tpu.vector_store %arg43[%swap3A, %swap3A_135], %broadcast_in_dim3A_134 {strides = array<i32>} : memref<72x128xf32, #tpu.memory_space<vmem>>, vector<16xf32>,
      %broadcast_in_dim3A_137 = arith.constant 0.000000e+00 : f32
      %broadcast_in_dim3A_138 = vector.broadcast %broadcast_in_dim3A_137 : f32 to vector<16xf32>
      %swap3A_139 = arith.index_cast %add3A_133 : i32 to index
      %swap3A_140 = arith.constant 16 : index
      %swap3A_141 = tpu.vector_load %arg43[%swap3A_139, %swap3A_140] {strides = array<i32>} : memref<72x128xf32, #tpu.memory_space<vmem>>, vector<16xf32>,
      tpu.vector_store %arg43[%swap3A_139, %swap3A_140], %broadcast_in_dim3A_138 {strides = array<i32>} : memref<72x128xf32, #tpu.memory_space<vmem>>, vector<16xf32>,
      %broadcast_in_dim3A_142 = arith.constant 0.000000e+00 : f32
      %broadcast_in_dim3A_143 = vector.broadcast %broadcast_in_dim3A_142 : f32 to vector<16xf32>
      %swap3A_144 = arith.index_cast %add3A_133 : i32 to index
      %swap3A_145 = arith.constant 32 : index
      %swap3A_146 = tpu.vector_load %arg43[%swap3A_144, %swap3A_145] {strides = array<i32>} : memref<72x128xf32, #tpu.memory_space<vmem>>, vector<16xf32>,
      tpu.vector_store %arg43[%swap3A_144, %swap3A_145], %broadcast_in_dim3A_143 {strides = array<i32>} : memref<72x128xf32, #tpu.memory_space<vmem>>, vector<16xf32>,
      %broadcast_in_dim3A_147 = arith.constant 0.000000e+00 : f32
      %broadcast_in_dim3A_148 = vector.broadcast %broadcast_in_dim3A_147 : f32 to vector<16xf32>
      %swap3A_149 = arith.index_cast %add3A_133 : i32 to index
      %swap3A_150 = arith.constant 48 : index
      %swap3A_151 = tpu.vector_load %arg43[%swap3A_149, %swap3A_150] {strides = array<i32>} : memref<72x128xf32, #tpu.memory_space<vmem>>, vector<16xf32>,
      tpu.vector_store %arg43[%swap3A_149, %swap3A_150], %broadcast_in_dim3A_148 {strides = array<i32>} : memref<72x128xf32, #tpu.memory_space<vmem>>, vector<16xf32>,
      %broadcast_in_dim3A_152 = arith.constant 0.000000e+00 : f32
      %broadcast_in_dim3A_153 = vector.broadcast %broadcast_in_dim3A_152 : f32 to vector<16xf32>
      %swap3A_154 = arith.index_cast %add3A_133 : i32 to index
      %swap3A_155 = arith.constant 64 : index
      %swap3A_156 = tpu.vector_load %arg43[%swap3A_154, %swap3A_155] {strides = array<i32>} : memref<72x128xf32, #tpu.memory_space<vmem>>, vector<16xf32>,
      tpu.vector_store %arg43[%swap3A_154, %swap3A_155], %broadcast_in_dim3A_153 {strides = array<i32>} : memref<72x128xf32, #tpu.memory_space<vmem>>, vector<16xf32>,
      %broadcast_in_dim3A_157 = arith.constant 0.000000e+00 : f32
      %broadcast_in_dim3A_158 = vector.broadcast %broadcast_in_dim3A_157 : f32 to vector<16xf32>
      %swap3A_159 = arith.index_cast %add3A_133 : i32 to index
      %swap3A_160 = arith.constant 80 : index
      %swap3A_161 = tpu.vector_load %arg43[%swap3A_159, %swap3A_160] {strides = array<i32>} : memref<72x128xf32, #tpu.memory_space<vmem>>, vector<16xf32>,
      tpu.vector_store %arg43[%swap3A_159, %swap3A_160], %broadcast_in_dim3A_158 {strides = array<i32>} : memref<72x128xf32, #tpu.memory_space<vmem>>, vector<16xf32>,
      %broadcast_in_dim3A_162 = arith.constant 0.000000e+00 : f32
      %broadcast_in_dim3A_163 = vector.broadcast %broadcast_in_dim3A_162 : f32 to vector<16xf32>
      %swap3A_164 = arith.index_cast %add3A_133 : i32 to index
      %swap3A_165 = arith.constant 96 : index
      %swap3A_166 = tpu.vector_load %arg43[%swap3A_164, %swap3A_165] {strides = array<i32>} : memref<72x128xf32, #tpu.memory_space<vmem>>, vector<16xf32>,
      tpu.vector_store %arg43[%swap3A_164, %swap3A_165], %broadcast_in_dim3A_163 {strides = array<i32>} : memref<72x128xf32, #tpu.memory_space<vmem>>, vector<16xf32>,
      %broadcast_in_dim3A_167 = arith.constant 0.000000e+00 : f32
      %broadcast_in_dim3A_168 = vector.broadcast %broadcast_in_dim3A_167 : f32 to vector<16xf32>
      %swap3A_169 = arith.index_cast %add3A_133 : i32 to index
      %swap3A_170 = arith.constant 112 : index
      %swap3A_171 = tpu.vector_load %arg43[%swap3A_169, %swap3A_170] {strides = array<i32>} : memref<72x128xf32, #tpu.memory_space<vmem>>, vector<16xf32>,
      tpu.vector_store %arg43[%swap3A_169, %swap3A_170], %broadcast_in_dim3A_168 {strides = array<i32>} : memref<72x128xf32, #tpu.memory_space<vmem>>, vector<16xf32>,
    }
    %scan3A_103 = arith.constant 72 : i32
    %mul3A_104 = arith.constant 624 : i32
    %mul3A_105 = arith.muli %arg1, %mul3A_104 : i32
    %scan3A_106 = arith.constant 0 : i32
    %scan3A_107 = arith.constant 8 : i32
    %scan3A_108 = arith.addi %scan3A_106, %scan3A_107 : i32
    %scan3A_109 = arith.constant 1 : i32
    scf.for %scan3A_129 = %scan3A_106 to %scan3A_108 step %scan3A_109  : i32 {
      %mul3A_130 = arith.constant 1 : i32
      %mul3A_131 = arith.muli %scan3A_129, %mul3A_130 : i32
      %add3A_132 = arith.constant 0 : i32
      %add3A_133 = arith.addi %add3A_132, %mul3A_131 : i32
      %mul3A_134 = arith.constant 72 : i32
      %mul3A_135 = arith.muli %add3A_133, %mul3A_134 : i32
      %add3A_136 = arith.addi %mul3A_105, %mul3A_135 : i32
      "tpu.region"() ({
        %run_scoped3A = tpu.sem_alloc : memref<!tpu.dma_semaphore, #tpu.memory_space<semaphore_mem>>
        %dma_start3A_137 = arith.constant 0 : i32
        %dma_start3A_138 = tpu.memref_slice %arg7[%add3A_136, %dma_start3A_137] : memref<10000x128xf32, #tpu.memory_space<vmem_shared>> -> memref<72x128xf32, #tpu.memory_space<vmem_shared>>
        %dma_start3A_139 = arith.constant 0 : i32
        %dma_start3A_140 = tpu.memref_slice %arg7[%add3A_136, %dma_start3A_139] : memref<10000x128xf32, #tpu.memory_space<vmem_shared>> -> memref<72x128xf32, #tpu.memory_space<vmem_shared>>
        tpu.enqueue_dma source(%arg43 : memref<72x128xf32, #tpu.memory_space<vmem>>) target(%dma_start3A_140 : memref<72x128xf32, #tpu.memory_space<vmem_shared>>) target_semaphore(%run_scoped3A : memref<!tpu.dma_semaphore, #tpu.memory_space<semaphore_mem>>)
        %dma_wait3A_141 = arith.constant 0 : i32
        %dma_wait3A_142 = tpu.memref_slice %arg7[%add3A_136, %dma_wait3A_141] : memref<10000x128xf32, #tpu.memory_space<vmem_shared>> -> memref<72x128xf32, #tpu.memory_space<vmem_shared>>
        %dma_wait3A_143 = arith.constant 0 : i32
        %dma_wait3A_144 = tpu.memref_slice %arg7[%add3A_136, %dma_wait3A_143] : memref<10000x128xf32, #tpu.memory_space<vmem_shared>> -> memref<72x128xf32, #tpu.memory_space<vmem_shared>>
        tpu.wait_dma2 semaphore(%run_scoped3A : memref<!tpu.dma_semaphore, #tpu.memory_space<semaphore_mem>>) src(%arg43 : memref<72x128xf32, #tpu.memory_space<vmem>>) dst(%dma_wait3A_144 : memref<72x128xf32, #tpu.memory_space<vmem_shared>>)
        tpu.yield
      }) : () -> ()
    }
    %scan3A_110 = arith.constant 8 : i32
    %add3A_111 = arith.constant 576 : i32
    %add3A_112 = arith.addi %mul3A_105, %add3A_111 : i32
    "tpu.region"() ({
      %run_scoped3A = tpu.sem_alloc : memref<!tpu.dma_semaphore, #tpu.memory_space<semaphore_mem>>
      %dma_start3A_129 = arith.constant 0 : i32
      %dma_start3A_130 = arith.constant 0 : i32
      %dma_start3A_131 = tpu.memref_slice %arg43[%dma_start3A_129, %dma_start3A_130] : memref<72x128xf32, #tpu.memory_space<vmem>> -> memref<48x128xf32, #tpu.memory_space<vmem>>
      %dma_start3A_132 = arith.constant 0 : i32
      %dma_start3A_133 = tpu.memref_slice %arg7[%add3A_112, %dma_start3A_132] : memref<10000x128xf32, #tpu.memory_space<vmem_shared>> -> memref<48x128xf32, #tpu.memory_space<vmem_shared>>
      %dma_start3A_134 = arith.constant 0 : i32
      %dma_start3A_135 = tpu.memref_slice %arg7[%add3A_112, %dma_start3A_134] : memref<10000x128xf32, #tpu.memory_space<vmem_shared>> -> memref<48x128xf32, #tpu.memory_space<vmem_shared>>
      %dma_start3A_136 = arith.constant 0 : i32
      %dma_start3A_137 = arith.constant 0 : i32
      %dma_start3A_138 = tpu.memref_slice %arg43[%dma_start3A_136, %dma_start3A_137] : memref<72x128xf32, #tpu.memory_space<vmem>> -> memref<48x128xf32, #tpu.memory_space<vmem>>
      tpu.enqueue_dma source(%dma_start3A_138 : memref<48x128xf32, #tpu.memory_space<vmem>>) target(%dma_start3A_135 : memref<48x128xf32, #tpu.memory_space<vmem_shared>>) target_semaphore(%run_scoped3A : memref<!tpu.dma_semaphore, #tpu.memory_space<semaphore_mem>>)
      %dma_wait3A_139 = arith.constant 0 : i32
      %dma_wait3A_140 = arith.constant 0 : i32
      %dma_wait3A_141 = tpu.memref_slice %arg43[%dma_wait3A_139, %dma_wait3A_140] : memref<72x128xf32, #tpu.memory_space<vmem>> -> memref<48x128xf32, #tpu.memory_space<vmem>>
      %dma_wait3A_142 = arith.constant 0 : i32
      %dma_wait3A_143 = tpu.memref_slice %arg7[%add3A_112, %dma_wait3A_142] : memref<10000x128xf32, #tpu.memory_space<vmem_shared>> -> memref<48x128xf32, #tpu.memory_space<vmem_shared>>
      %dma_wait3A_144 = arith.constant 0 : i32
      %dma_wait3A_145 = tpu.memref_slice %arg7[%add3A_112, %dma_wait3A_144] : memref<10000x128xf32, #tpu.memory_space<vmem_shared>> -> memref<48x128xf32, #tpu.memory_space<vmem_shared>>
      %dma_wait3A_146 = arith.constant 0 : i32
      %dma_wait3A_147 = arith.constant 0 : i32
      %dma_wait3A_148 = tpu.memref_slice %arg43[%dma_wait3A_146, %dma_wait3A_147] : memref<72x128xf32, #tpu.memory_space<vmem>> -> memref<48x128xf32, #tpu.memory_space<vmem>>
      tpu.wait_dma2 semaphore(%run_scoped3A : memref<!tpu.dma_semaphore, #tpu.memory_space<semaphore_mem>>) src(%dma_wait3A_148 : memref<48x128xf32, #tpu.memory_space<vmem>>) dst(%dma_wait3A_145 : memref<48x128xf32, #tpu.memory_space<vmem_shared>>)
      tpu.yield
    }) : () -> ()
    %eq3A = arith.constant 15 : i32
    %eq3A_113 = arith.cmpi eq, %arg1, %eq3A : i32
    %convert_element_type3A = arith.extui %eq3A_113 : i1 to i32
    %cond3A = arith.constant 0 : i32
    %cond3A_114 = arith.cmpi ne, %convert_element_type3A, %cond3A : i32
    scf.if %cond3A_114 {
      "tpu.region"() ({
        %run_scoped3A = tpu.sem_alloc : memref<!tpu.dma_semaphore, #tpu.memory_space<semaphore_mem>>
        %dma_start3A_129 = arith.constant 0 : i32
        %dma_start3A_130 = arith.constant 0 : i32
        %dma_start3A_131 = tpu.memref_slice %arg43[%dma_start3A_129, %dma_start3A_130] : memref<72x128xf32, #tpu.memory_space<vmem>> -> memref<16x128xf32, #tpu.memory_space<vmem>>
        %dma_start3A_132 = arith.constant 9984 : i32
        %dma_start3A_133 = arith.constant 0 : i32
        %dma_start3A_134 = tpu.memref_slice %arg7[%dma_start3A_132, %dma_start3A_133] : memref<10000x128xf32, #tpu.memory_space<vmem_shared>> -> memref<16x128xf32, #tpu.memory_space<vmem_shared>>
        %dma_start3A_135 = arith.constant 9984 : i32
        %dma_start3A_136 = arith.constant 0 : i32
        %dma_start3A_137 = tpu.memref_slice %arg7[%dma_start3A_135, %dma_start3A_136] : memref<10000x128xf32, #tpu.memory_space<vmem_shared>> -> memref<16x128xf32, #tpu.memory_space<vmem_shared>>
        %dma_start3A_138 = arith.constant 0 : i32
        %dma_start3A_139 = arith.constant 0 : i32
        %dma_start3A_140 = tpu.memref_slice %arg43[%dma_start3A_138, %dma_start3A_139] : memref<72x128xf32, #tpu.memory_space<vmem>> -> memref<16x128xf32, #tpu.memory_space<vmem>>
        tpu.enqueue_dma source(%dma_start3A_140 : memref<16x128xf32, #tpu.memory_space<vmem>>) target(%dma_start3A_137 : memref<16x128xf32, #tpu.memory_space<vmem_shared>>) target_semaphore(%run_scoped3A : memref<!tpu.dma_semaphore, #tpu.memory_space<semaphore_mem>>)
        %dma_wait3A_141 = arith.constant 0 : i32
        %dma_wait3A_142 = arith.constant 0 : i32
        %dma_wait3A_143 = tpu.memref_slice %arg43[%dma_wait3A_141, %dma_wait3A_142] : memref<72x128xf32, #tpu.memory_space<vmem>> -> memref<16x128xf32, #tpu.memory_space<vmem>>
        %dma_wait3A_144 = arith.constant 9984 : i32
        %dma_wait3A_145 = arith.constant 0 : i32
        %dma_wait3A_146 = tpu.memref_slice %arg7[%dma_wait3A_144, %dma_wait3A_145] : memref<10000x128xf32, #tpu.memory_space<vmem_shared>> -> memref<16x128xf32, #tpu.memory_space<vmem_shared>>
        %dma_wait3A_147 = arith.constant 9984 : i32
        %dma_wait3A_148 = arith.constant 0 : i32
        %dma_wait3A_149 = tpu.memref_slice %arg7[%dma_wait3A_147, %dma_wait3A_148] : memref<10000x128xf32, #tpu.memory_space<vmem_shared>> -> memref<16x128xf32, #tpu.memory_space<vmem_shared>>
        %dma_wait3A_150 = arith.constant 0 : i32
        %dma_wait3A_151 = arith.constant 0 : i32
        %dma_wait3A_152 = tpu.memref_slice %arg43[%dma_wait3A_150, %dma_wait3A_151] : memref<72x128xf32, #tpu.memory_space<vmem>> -> memref<16x128xf32, #tpu.memory_space<vmem>>
        tpu.wait_dma2 semaphore(%run_scoped3A : memref<!tpu.dma_semaphore, #tpu.memory_space<semaphore_mem>>) src(%dma_wait3A_152 : memref<16x128xf32, #tpu.memory_space<vmem>>) dst(%dma_wait3A_149 : memref<16x128xf32, #tpu.memory_space<vmem_shared>>)
        tpu.yield
      }) : () -> ()
    } else {
    }
    %barrier3A = arith.constant 0 : index
    tpu.barrier barrier_id(%barrier3A)
    %scan3A_115 = arith.constant 0 : i32
    %scan3A_116 = arith.constant 28 : i32
    %scan3A_117 = arith.addi %scan3A_115, %scan3A_116 : i32
    %scan3A_118 = arith.constant 1 : i32
    scf.for %scan3A_129 = %scan3A_115 to %scan3A_117 step %scan3A_118  : i32 {
      %mul3A_130 = arith.constant 5 : i32
      %mul3A_131 = arith.muli %scan3A_129, %mul3A_130 : i32
      %add3A_132 = arith.constant 0 : i32
      %add3A_133 = arith.addi %add3A_132, %mul3A_131 : i32
      %add3A_134 = arith.constant 0 : i32
      %add3A_135 = arith.addi %add3A_133, %add3A_134 : i32
      %add3A_136 = arith.constant 3 : i32
      %add3A_137 = arith.addi %add3A_135, %add3A_136 : i32
      %lt3A = arith.constant 140 : i32
      %lt3A_138 = arith.cmpi slt, %add3A_137, %lt3A : i32
      %convert_element_type3A_139 = arith.extui %lt3A_138 : i1 to i32
      %cond3A_140 = arith.constant 0 : i32
      %cond3A_141 = arith.cmpi ne, %convert_element_type3A_139, %cond3A_140 : i32
      scf.if %cond3A_141 {
        %add3A_377 = arith.constant 3 : i32
        %add3A_378 = arith.addi %add3A_135, %add3A_377 : i32
        %add3A_379 = arith.addi %mul3A_2, %add3A_378 : i32
        %mul3A_380 = arith.constant 72 : i32
        %mul3A_381 = arith.muli %add3A_379, %mul3A_380 : i32
        %dma_wait3A_382 = tpu.memref_slice %arg3[%mul3A_381] : memref<322560xi32, #tpu.memory_space<hbm>> -> memref<72xi32, #tpu.memory_space<hbm>>
        %dma_wait3A_383 = tpu.memref_slice %arg3[%mul3A_381] : memref<322560xi32, #tpu.memory_space<hbm>> -> memref<72xi32, #tpu.memory_space<hbm>>
        tpu.wait_dma2 semaphore(%arg36 : memref<!tpu.dma_semaphore, #tpu.memory_space<semaphore_mem>>) src(%dma_wait3A_383 : memref<72xi32, #tpu.memory_space<hbm>>) dst(%arg32 : memref<72xi32, #tpu.memory_space<vmem>>)
        %dma_start3A_384 = arith.constant 0 : i32
        %dma_start3A_385 = arith.constant 0 : i32
        %dma_start3A_386 = tpu.memref_slice %arg5[%dma_start3A_384, %dma_start3A_385] : memref<10000x128xf32, #tpu.memory_space<hbm>> -> memref<10000x128xf32, #tpu.memory_space<hbm>>
        tpu.enqueue_indirect_dma source(%dma_start3A_386 : memref<10000x128xf32, #tpu.memory_space<hbm>>) target(%arg35 : memref<72x128xf32, #tpu.memory_space<vmem>>) offsets(%arg32 : memref<72xi32, #tpu.memory_space<vmem>>) semaphore(%arg38 : memref<!tpu.dma_semaphore, #tpu.memory_space<semaphore_mem>>)
      } else {
      }
      %dma_wait3A_142 = arith.constant 0 : i32
      %dma_wait3A_143 = arith.constant 0 : i32
      %dma_wait3A_144 = tpu.memref_slice %arg5[%dma_wait3A_142, %dma_wait3A_143] : memref<10000x128xf32, #tpu.memory_space<hbm>> -> memref<10000x128xf32, #tpu.memory_space<hbm>>
      tpu.wait_indirect_dma semaphore(%arg14 : memref<!tpu.dma_semaphore, #tpu.memory_space<semaphore_mem>>) src(%dma_wait3A_144 : memref<10000x128xf32, #tpu.memory_space<hbm>>) dst(%arg11 : memref<72x128xf32, #tpu.memory_space<vmem>>)
      %add3A_145 = arith.constant 4 : i32
      %add3A_146 = arith.addi %add3A_135, %add3A_145 : i32
      %lt3A_147 = arith.constant 140 : i32
      %lt3A_148 = arith.cmpi slt, %add3A_146, %lt3A_147 : i32
      %convert_element_type3A_149 = arith.extui %lt3A_148 : i1 to i32
      %cond3A_150 = arith.constant 0 : i32
      %cond3A_151 = arith.cmpi ne, %convert_element_type3A_149, %cond3A_150 : i32
      scf.if %cond3A_151 {
        %add3A_377 = arith.constant 4 : i32
        %add3A_378 = arith.addi %add3A_135, %add3A_377 : i32
        %add3A_379 = arith.addi %mul3A_2, %add3A_378 : i32
        %mul3A_380 = arith.constant 72 : i32
        %mul3A_381 = arith.muli %add3A_379, %mul3A_380 : i32
        %dma_start3A_382 = tpu.memref_slice %arg3[%mul3A_381] : memref<322560xi32, #tpu.memory_space<hbm>> -> memref<72xi32, #tpu.memory_space<hbm>>
        %dma_start3A_383 = tpu.memref_slice %arg3[%mul3A_381] : memref<322560xi32, #tpu.memory_space<hbm>> -> memref<72xi32, #tpu.memory_space<hbm>>
        tpu.enqueue_dma source(%dma_start3A_383 : memref<72xi32, #tpu.memory_space<hbm>>) target(%arg40 : memref<72xi32, #tpu.memory_space<vmem>>) target_semaphore(%arg44 : memref<!tpu.dma_semaphore, #tpu.memory_space<semaphore_mem>>)
      } else {
      }
      %add3A_152 = arith.addi %mul3A_2, %add3A_135 : i32
      %mul3A_153 = arith.constant 72 : i32
      %mul3A_154 = arith.muli %add3A_152, %mul3A_153 : i32
      %dma_wait3A_155 = tpu.memref_slice %arg2[%mul3A_154] : memref<322560xi32, #tpu.memory_space<hbm>> -> memref<72xi32, #tpu.memory_space<hbm>>
      %dma_wait3A_156 = tpu.memref_slice %arg2[%mul3A_154] : memref<322560xi32, #tpu.memory_space<hbm>> -> memref<72xi32, #tpu.memory_space<hbm>>
      tpu.wait_dma2 semaphore(%arg13 : memref<!tpu.dma_semaphore, #tpu.memory_space<semaphore_mem>>) src(%dma_wait3A_156 : memref<72xi32, #tpu.memory_space<hbm>>) dst(%arg9 : memref<72xi32, #tpu.memory_space<vmem>>)
      %add3A_157 = arith.addi %mul3A_2, %add3A_135 : i32
      %mul3A_158 = arith.constant 72 : i32
      %mul3A_159 = arith.muli %add3A_157, %mul3A_158 : i32
      %dma_wait3A_160 = tpu.memref_slice %arg4[%mul3A_159] : memref<322560xf32, #tpu.memory_space<hbm>> -> memref<72xf32, #tpu.memory_space<hbm>>
      %dma_wait3A_161 = tpu.memref_slice %arg4[%mul3A_159] : memref<322560xf32, #tpu.memory_space<hbm>> -> memref<72xf32, #tpu.memory_space<hbm>>
      tpu.wait_dma2 semaphore(%arg13 : memref<!tpu.dma_semaphore, #tpu.memory_space<semaphore_mem>>) src(%dma_wait3A_161 : memref<72xf32, #tpu.memory_space<hbm>>) dst(%arg10 : memref<72xf32, #tpu.memory_space<vmem>>)
      %scan3A_162 = arith.constant 0 : i32
      %scan3A_163 = arith.constant 72 : i32
      %scan3A_164 = arith.addi %scan3A_162, %scan3A_163 : i32
      %scan3A_165 = arith.constant 1 : i32
      scf.for %scan3A_377 = %scan3A_162 to %scan3A_164 step %scan3A_165  : i32 {
        %mul3A_378 = arith.constant 1 : i32
        %mul3A_379 = arith.muli %scan3A_377, %mul3A_378 : i32
        %add3A_380 = arith.constant 0 : i32
        %add3A_381 = arith.addi %add3A_380, %mul3A_379 : i32
        %broadcast_in_dim3A = arith.constant 0 : i32
        %broadcast_in_dim3A_382 = vector.broadcast %broadcast_in_dim3A : i32 to vector<16xi32>
        %add3A_383 = vector.broadcast %add3A_381 : i32 to vector<16xi32>
        %add3A_384 = arith.addi %broadcast_in_dim3A_382, %add3A_383 : vector<16xi32>
        %gather3A = tpu.vector_load_idx %arg10[%add3A_384] : memref<72xf32, #tpu.memory_space<vmem>>[vector<16xi32>], vector<16xf32>,
        %get3A = arith.index_cast %add3A_381 : i32 to index
        %get3A_385 = arith.constant 0 : index
        %get3A_386 = tpu.vector_load %arg11[%get3A, %get3A_385] {strides = array<i32>} : memref<72x128xf32, #tpu.memory_space<vmem>>, vector<16xf32>,
        %mul3A_387 = arith.mulf %get3A_386, %gather3A : vector<16xf32>
        %swap3A = arith.index_cast %add3A_381 : i32 to index
        %swap3A_388 = arith.constant 0 : index
        %swap3A_389 = tpu.vector_load %arg11[%swap3A, %swap3A_388] {strides = array<i32>} : memref<72x128xf32, #tpu.memory_space<vmem>>, vector<16xf32>,
        tpu.vector_store %arg11[%swap3A, %swap3A_388], %mul3A_387 {strides = array<i32>} : memref<72x128xf32, #tpu.memory_space<vmem>>, vector<16xf32>,
        %get3A_390 = arith.index_cast %add3A_381 : i32 to index
        %get3A_391 = arith.constant 16 : index
        %get3A_392 = tpu.vector_load %arg11[%get3A_390, %get3A_391] {strides = array<i32>} : memref<72x128xf32, #tpu.memory_space<vmem>>, vector<16xf32>,
        %mul3A_393 = arith.mulf %get3A_392, %gather3A : vector<16xf32>
        %swap3A_394 = arith.index_cast %add3A_381 : i32 to index
        %swap3A_395 = arith.constant 16 : index
        %swap3A_396 = tpu.vector_load %arg11[%swap3A_394, %swap3A_395] {strides = array<i32>} : memref<72x128xf32, #tpu.memory_space<vmem>>, vector<16xf32>,
        tpu.vector_store %arg11[%swap3A_394, %swap3A_395], %mul3A_393 {strides = array<i32>} : memref<72x128xf32, #tpu.memory_space<vmem>>, vector<16xf32>,
        %get3A_397 = arith.index_cast %add3A_381 : i32 to index
        %get3A_398 = arith.constant 32 : index
        %get3A_399 = tpu.vector_load %arg11[%get3A_397, %get3A_398] {strides = array<i32>} : memref<72x128xf32, #tpu.memory_space<vmem>>, vector<16xf32>,
        %mul3A_400 = arith.mulf %get3A_399, %gather3A : vector<16xf32>
        %swap3A_401 = arith.index_cast %add3A_381 : i32 to index
        %swap3A_402 = arith.constant 32 : index
        %swap3A_403 = tpu.vector_load %arg11[%swap3A_401, %swap3A_402] {strides = array<i32>} : memref<72x128xf32, #tpu.memory_space<vmem>>, vector<16xf32>,
        tpu.vector_store %arg11[%swap3A_401, %swap3A_402], %mul3A_400 {strides = array<i32>} : memref<72x128xf32, #tpu.memory_space<vmem>>, vector<16xf32>,
        %get3A_404 = arith.index_cast %add3A_381 : i32 to index
        %get3A_405 = arith.constant 48 : index
        %get3A_406 = tpu.vector_load %arg11[%get3A_404, %get3A_405] {strides = array<i32>} : memref<72x128xf32, #tpu.memory_space<vmem>>, vector<16xf32>,
        %mul3A_407 = arith.mulf %get3A_406, %gather3A : vector<16xf32>
        %swap3A_408 = arith.index_cast %add3A_381 : i32 to index
        %swap3A_409 = arith.constant 48 : index
        %swap3A_410 = tpu.vector_load %arg11[%swap3A_408, %swap3A_409] {strides = array<i32>} : memref<72x128xf32, #tpu.memory_space<vmem>>, vector<16xf32>,
        tpu.vector_store %arg11[%swap3A_408, %swap3A_409], %mul3A_407 {strides = array<i32>} : memref<72x128xf32, #tpu.memory_space<vmem>>, vector<16xf32>,
        %get3A_411 = arith.index_cast %add3A_381 : i32 to index
        %get3A_412 = arith.constant 64 : index
        %get3A_413 = tpu.vector_load %arg11[%get3A_411, %get3A_412] {strides = array<i32>} : memref<72x128xf32, #tpu.memory_space<vmem>>, vector<16xf32>,
        %mul3A_414 = arith.mulf %get3A_413, %gather3A : vector<16xf32>
        %swap3A_415 = arith.index_cast %add3A_381 : i32 to index
        %swap3A_416 = arith.constant 64 : index
        %swap3A_417 = tpu.vector_load %arg11[%swap3A_415, %swap3A_416] {strides = array<i32>} : memref<72x128xf32, #tpu.memory_space<vmem>>, vector<16xf32>,
        tpu.vector_store %arg11[%swap3A_415, %swap3A_416], %mul3A_414 {strides = array<i32>} : memref<72x128xf32, #tpu.memory_space<vmem>>, vector<16xf32>,
        %get3A_418 = arith.index_cast %add3A_381 : i32 to index
        %get3A_419 = arith.constant 80 : index
        %get3A_420 = tpu.vector_load %arg11[%get3A_418, %get3A_419] {strides = array<i32>} : memref<72x128xf32, #tpu.memory_space<vmem>>, vector<16xf32>,
        %mul3A_421 = arith.mulf %get3A_420, %gather3A : vector<16xf32>
        %swap3A_422 = arith.index_cast %add3A_381 : i32 to index
        %swap3A_423 = arith.constant 80 : index
        %swap3A_424 = tpu.vector_load %arg11[%swap3A_422, %swap3A_423] {strides = array<i32>} : memref<72x128xf32, #tpu.memory_space<vmem>>, vector<16xf32>,
        tpu.vector_store %arg11[%swap3A_422, %swap3A_423], %mul3A_421 {strides = array<i32>} : memref<72x128xf32, #tpu.memory_space<vmem>>, vector<16xf32>,
        %get3A_425 = arith.index_cast %add3A_381 : i32 to index
        %get3A_426 = arith.constant 96 : index
        %get3A_427 = tpu.vector_load %arg11[%get3A_425, %get3A_426] {strides = array<i32>} : memref<72x128xf32, #tpu.memory_space<vmem>>, vector<16xf32>,
        %mul3A_428 = arith.mulf %get3A_427, %gather3A : vector<16xf32>
        %swap3A_429 = arith.index_cast %add3A_381 : i32 to index
        %swap3A_430 = arith.constant 96 : index
        %swap3A_431 = tpu.vector_load %arg11[%swap3A_429, %swap3A_430] {strides = array<i32>} : memref<72x128xf32, #tpu.memory_space<vmem>>, vector<16xf32>,
        tpu.vector_store %arg11[%swap3A_429, %swap3A_430], %mul3A_428 {strides = array<i32>} : memref<72x128xf32, #tpu.memory_space<vmem>>, vector<16xf32>,
        %get3A_432 = arith.index_cast %add3A_381 : i32 to index
        %get3A_433 = arith.constant 112 : index
        %get3A_434 = tpu.vector_load %arg11[%get3A_432, %get3A_433] {strides = array<i32>} : memref<72x128xf32, #tpu.memory_space<vmem>>, vector<16xf32>,
        %mul3A_435 = arith.mulf %get3A_434, %gather3A : vector<16xf32>
        %swap3A_436 = arith.index_cast %add3A_381 : i32 to index
        %swap3A_437 = arith.constant 112 : index
        %swap3A_438 = tpu.vector_load %arg11[%swap3A_436, %swap3A_437] {strides = array<i32>} : memref<72x128xf32, #tpu.memory_space<vmem>>, vector<16xf32>,
        tpu.vector_store %arg11[%swap3A_436, %swap3A_437], %mul3A_435 {strides = array<i32>} : memref<72x128xf32, #tpu.memory_space<vmem>>, vector<16xf32>,
      }
      %scan3A_166 = arith.constant 72 : i32
      %dma_start3A_167 = arith.constant 0 : i32
      %dma_start3A_168 = arith.constant 0 : i32
      %dma_start3A_169 = tpu.memref_slice %arg7[%dma_start3A_167, %dma_start3A_168] : memref<10000x128xf32, #tpu.memory_space<vmem_shared>> -> memref<10000x128xf32, #tpu.memory_space<vmem_shared>>
      tpu.enqueue_indirect_dma source(%arg11 : memref<72x128xf32, #tpu.memory_space<vmem>>) target(%dma_start3A_169 : memref<10000x128xf32, #tpu.memory_space<vmem_shared>>) offsets(%arg9 : memref<72xi32, #tpu.memory_space<vmem>>) semaphore(%arg15 : memref<!tpu.dma_semaphore, #tpu.memory_space<semaphore_mem>>) {add = true}
      %gt3A = arith.constant 0 : i32
      %gt3A_170 = arith.cmpi sgt, %add3A_135, %gt3A : i32
      %convert_element_type3A_171 = arith.extui %gt3A_170 : i1 to i32
      %cond3A_172 = arith.constant 0 : i32
      %cond3A_173 = arith.cmpi ne, %convert_element_type3A_171, %cond3A_172 : i32
      scf.if %cond3A_173 {
        %dma_wait3A_377 = arith.constant 0 : i32
        %dma_wait3A_378 = arith.constant 0 : i32
        %dma_wait3A_379 = tpu.memref_slice %arg7[%dma_wait3A_377, %dma_wait3A_378] : memref<10000x128xf32, #tpu.memory_space<vmem_shared>> -> memref<10000x128xf32, #tpu.memory_space<vmem_shared>>
        tpu.wait_indirect_dma semaphore(%arg47 : memref<!tpu.dma_semaphore, #tpu.memory_space<semaphore_mem>>) src(%arg43 : memref<72x128xf32, #tpu.memory_space<vmem>>) dst(%dma_wait3A_379 : memref<10000x128xf32, #tpu.memory_space<vmem_shared>>)
      } else {
      }
      %add3A_174 = arith.constant 4 : i32
      %add3A_175 = arith.addi %add3A_135, %add3A_174 : i32
      %lt3A_176 = arith.constant 140 : i32
      %lt3A_177 = arith.cmpi slt, %add3A_175, %lt3A_176 : i32
      %convert_element_type3A_178 = arith.extui %lt3A_177 : i1 to i32
      %cond3A_179 = arith.constant 0 : i32
      %cond3A_180 = arith.cmpi ne, %convert_element_type3A_178, %cond3A_179 : i32
      scf.if %cond3A_180 {
        %add3A_377 = arith.constant 4 : i32
        %add3A_378 = arith.addi %add3A_135, %add3A_377 : i32
        %add3A_379 = arith.addi %mul3A_2, %add3A_378 : i32
        %mul3A_380 = arith.constant 72 : i32
        %mul3A_381 = arith.muli %add3A_379, %mul3A_380 : i32
        %dma_start3A_382 = tpu.memref_slice %arg2[%mul3A_381] : memref<322560xi32, #tpu.memory_space<hbm>> -> memref<72xi32, #tpu.memory_space<hbm>>
        %dma_start3A_383 = tpu.memref_slice %arg2[%mul3A_381] : memref<322560xi32, #tpu.memory_space<hbm>> -> memref<72xi32, #tpu.memory_space<hbm>>
        tpu.enqueue_dma source(%dma_start3A_383 : memref<72xi32, #tpu.memory_space<hbm>>) target(%arg41 : memref<72xi32, #tpu.memory_space<vmem>>) target_semaphore(%arg45 : memref<!tpu.dma_semaphore, #tpu.memory_space<semaphore_mem>>)
        %add3A_384 = arith.addi %mul3A_2, %add3A_378 : i32
        %mul3A_385 = arith.constant 72 : i32
        %mul3A_386 = arith.muli %add3A_384, %mul3A_385 : i32
        %dma_start3A_387 = tpu.memref_slice %arg4[%mul3A_386] : memref<322560xf32, #tpu.memory_space<hbm>> -> memref<72xf32, #tpu.memory_space<hbm>>
        %dma_start3A_388 = tpu.memref_slice %arg4[%mul3A_386] : memref<322560xf32, #tpu.memory_space<hbm>> -> memref<72xf32, #tpu.memory_space<hbm>>
        tpu.enqueue_dma source(%dma_start3A_388 : memref<72xf32, #tpu.memory_space<hbm>>) target(%arg42 : memref<72xf32, #tpu.memory_space<vmem>>) target_semaphore(%arg45 : memref<!tpu.dma_semaphore, #tpu.memory_space<semaphore_mem>>)
      } else {
      }
      %add3A_181 = arith.constant 1 : i32
      %add3A_182 = arith.addi %add3A_133, %add3A_181 : i32
      %add3A_183 = arith.constant 3 : i32
      %add3A_184 = arith.addi %add3A_182, %add3A_183 : i32
      %lt3A_185 = arith.constant 140 : i32
      %lt3A_186 = arith.cmpi slt, %add3A_184, %lt3A_185 : i32
      %convert_element_type3A_187 = arith.extui %lt3A_186 : i1 to i32
      %cond3A_188 = arith.constant 0 : i32
      %cond3A_189 = arith.cmpi ne, %convert_element_type3A_187, %cond3A_188 : i32
      scf.if %cond3A_189 {
        %add3A_377 = arith.constant 3 : i32
        %add3A_378 = arith.addi %add3A_182, %add3A_377 : i32
        %add3A_379 = arith.addi %mul3A_2, %add3A_378 : i32
        %mul3A_380 = arith.constant 72 : i32
        %mul3A_381 = arith.muli %add3A_379, %mul3A_380 : i32
        %dma_wait3A_382 = tpu.memref_slice %arg3[%mul3A_381] : memref<322560xi32, #tpu.memory_space<hbm>> -> memref<72xi32, #tpu.memory_space<hbm>>
        %dma_wait3A_383 = tpu.memref_slice %arg3[%mul3A_381] : memref<322560xi32, #tpu.memory_space<hbm>> -> memref<72xi32, #tpu.memory_space<hbm>>
        tpu.wait_dma2 semaphore(%arg44 : memref<!tpu.dma_semaphore, #tpu.memory_space<semaphore_mem>>) src(%dma_wait3A_383 : memref<72xi32, #tpu.memory_space<hbm>>) dst(%arg40 : memref<72xi32, #tpu.memory_space<vmem>>)
        %dma_start3A_384 = arith.constant 0 : i32
        %dma_start3A_385 = arith.constant 0 : i32
        %dma_start3A_386 = tpu.memref_slice %arg5[%dma_start3A_384, %dma_start3A_385] : memref<10000x128xf32, #tpu.memory_space<hbm>> -> memref<10000x128xf32, #tpu.memory_space<hbm>>
        tpu.enqueue_indirect_dma source(%dma_start3A_386 : memref<10000x128xf32, #tpu.memory_space<hbm>>) target(%arg43 : memref<72x128xf32, #tpu.memory_space<vmem>>) offsets(%arg40 : memref<72xi32, #tpu.memory_space<vmem>>) semaphore(%arg46 : memref<!tpu.dma_semaphore, #tpu.memory_space<semaphore_mem>>)
      } else {
      }
      %dma_wait3A_190 = arith.constant 0 : i32
      %dma_wait3A_191 = arith.constant 0 : i32
      %dma_wait3A_192 = tpu.memref_slice %arg5[%dma_wait3A_190, %dma_wait3A_191] : memref<10000x128xf32, #tpu.memory_space<hbm>> -> memref<10000x128xf32, #tpu.memory_space<hbm>>
      tpu.wait_indirect_dma semaphore(%arg22 : memref<!tpu.dma_semaphore, #tpu.memory_space<semaphore_mem>>) src(%dma_wait3A_192 : memref<10000x128xf32, #tpu.memory_space<hbm>>) dst(%arg19 : memref<72x128xf32, #tpu.memory_space<vmem>>)
      %add3A_193 = arith.constant 4 : i32
      %add3A_194 = arith.addi %add3A_182, %add3A_193 : i32
      %lt3A_195 = arith.constant 140 : i32
      %lt3A_196 = arith.cmpi slt, %add3A_194, %lt3A_195 : i32
      %convert_element_type3A_197 = arith.extui %lt3A_196 : i1 to i32
      %cond3A_198 = arith.constant 0 : i32
      %cond3A_199 = arith.cmpi ne, %convert_element_type3A_197, %cond3A_198 : i32
      scf.if %cond3A_199 {
        %add3A_377 = arith.constant 4 : i32
        %add3A_378 = arith.addi %add3A_182, %add3A_377 : i32
        %add3A_379 = arith.addi %mul3A_2, %add3A_378 : i32
        %mul3A_380 = arith.constant 72 : i32
        %mul3A_381 = arith.muli %add3A_379, %mul3A_380 : i32
        %dma_start3A_382 = tpu.memref_slice %arg3[%mul3A_381] : memref<322560xi32, #tpu.memory_space<hbm>> -> memref<72xi32, #tpu.memory_space<hbm>>
        %dma_start3A_383 = tpu.memref_slice %arg3[%mul3A_381] : memref<322560xi32, #tpu.memory_space<hbm>> -> memref<72xi32, #tpu.memory_space<hbm>>
        tpu.enqueue_dma source(%dma_start3A_383 : memref<72xi32, #tpu.memory_space<hbm>>) target(%arg8 : memref<72xi32, #tpu.memory_space<vmem>>) target_semaphore(%arg12 : memref<!tpu.dma_semaphore, #tpu.memory_space<semaphore_mem>>)
      } else {
      }
      %add3A_200 = arith.addi %mul3A_2, %add3A_182 : i32
      %mul3A_201 = arith.constant 72 : i32
      %mul3A_202 = arith.muli %add3A_200, %mul3A_201 : i32
      %dma_wait3A_203 = tpu.memref_slice %arg2[%mul3A_202] : memref<322560xi32, #tpu.memory_space<hbm>> -> memref<72xi32, #tpu.memory_space<hbm>>
      %dma_wait3A_204 = tpu.memref_slice %arg2[%mul3A_202] : memref<322560xi32, #tpu.memory_space<hbm>> -> memref<72xi32, #tpu.memory_space<hbm>>
      tpu.wait_dma2 semaphore(%arg21 : memref<!tpu.dma_semaphore, #tpu.memory_space<semaphore_mem>>) src(%dma_wait3A_204 : memref<72xi32, #tpu.memory_space<hbm>>) dst(%arg17 : memref<72xi32, #tpu.memory_space<vmem>>)
      %add3A_205 = arith.addi %mul3A_2, %add3A_182 : i32
      %mul3A_206 = arith.constant 72 : i32
      %mul3A_207 = arith.muli %add3A_205, %mul3A_206 : i32
      %dma_wait3A_208 = tpu.memref_slice %arg4[%mul3A_207] : memref<322560xf32, #tpu.memory_space<hbm>> -> memref<72xf32, #tpu.memory_space<hbm>>
      %dma_wait3A_209 = tpu.memref_slice %arg4[%mul3A_207] : memref<322560xf32, #tpu.memory_space<hbm>> -> memref<72xf32, #tpu.memory_space<hbm>>
      tpu.wait_dma2 semaphore(%arg21 : memref<!tpu.dma_semaphore, #tpu.memory_space<semaphore_mem>>) src(%dma_wait3A_209 : memref<72xf32, #tpu.memory_space<hbm>>) dst(%arg18 : memref<72xf32, #tpu.memory_space<vmem>>)
      %scan3A_210 = arith.constant 0 : i32
      %scan3A_211 = arith.constant 72 : i32
      %scan3A_212 = arith.addi %scan3A_210, %scan3A_211 : i32
      %scan3A_213 = arith.constant 1 : i32
      scf.for %scan3A_377 = %scan3A_210 to %scan3A_212 step %scan3A_213  : i32 {
        %mul3A_378 = arith.constant 1 : i32
        %mul3A_379 = arith.muli %scan3A_377, %mul3A_378 : i32
        %add3A_380 = arith.constant 0 : i32
        %add3A_381 = arith.addi %add3A_380, %mul3A_379 : i32
        %broadcast_in_dim3A = arith.constant 0 : i32
        %broadcast_in_dim3A_382 = vector.broadcast %broadcast_in_dim3A : i32 to vector<16xi32>
        %add3A_383 = vector.broadcast %add3A_381 : i32 to vector<16xi32>
        %add3A_384 = arith.addi %broadcast_in_dim3A_382, %add3A_383 : vector<16xi32>
        %gather3A = tpu.vector_load_idx %arg18[%add3A_384] : memref<72xf32, #tpu.memory_space<vmem>>[vector<16xi32>], vector<16xf32>,
        %get3A = arith.index_cast %add3A_381 : i32 to index
        %get3A_385 = arith.constant 0 : index
        %get3A_386 = tpu.vector_load %arg19[%get3A, %get3A_385] {strides = array<i32>} : memref<72x128xf32, #tpu.memory_space<vmem>>, vector<16xf32>,
        %mul3A_387 = arith.mulf %get3A_386, %gather3A : vector<16xf32>
        %swap3A = arith.index_cast %add3A_381 : i32 to index
        %swap3A_388 = arith.constant 0 : index
        %swap3A_389 = tpu.vector_load %arg19[%swap3A, %swap3A_388] {strides = array<i32>} : memref<72x128xf32, #tpu.memory_space<vmem>>, vector<16xf32>,
        tpu.vector_store %arg19[%swap3A, %swap3A_388], %mul3A_387 {strides = array<i32>} : memref<72x128xf32, #tpu.memory_space<vmem>>, vector<16xf32>,
        %get3A_390 = arith.index_cast %add3A_381 : i32 to index
        %get3A_391 = arith.constant 16 : index
        %get3A_392 = tpu.vector_load %arg19[%get3A_390, %get3A_391] {strides = array<i32>} : memref<72x128xf32, #tpu.memory_space<vmem>>, vector<16xf32>,
        %mul3A_393 = arith.mulf %get3A_392, %gather3A : vector<16xf32>
        %swap3A_394 = arith.index_cast %add3A_381 : i32 to index
        %swap3A_395 = arith.constant 16 : index
        %swap3A_396 = tpu.vector_load %arg19[%swap3A_394, %swap3A_395] {strides = array<i32>} : memref<72x128xf32, #tpu.memory_space<vmem>>, vector<16xf32>,
        tpu.vector_store %arg19[%swap3A_394, %swap3A_395], %mul3A_393 {strides = array<i32>} : memref<72x128xf32, #tpu.memory_space<vmem>>, vector<16xf32>,
        %get3A_397 = arith.index_cast %add3A_381 : i32 to index
        %get3A_398 = arith.constant 32 : index
        %get3A_399 = tpu.vector_load %arg19[%get3A_397, %get3A_398] {strides = array<i32>} : memref<72x128xf32, #tpu.memory_space<vmem>>, vector<16xf32>,
        %mul3A_400 = arith.mulf %get3A_399, %gather3A : vector<16xf32>
        %swap3A_401 = arith.index_cast %add3A_381 : i32 to index
        %swap3A_402 = arith.constant 32 : index
        %swap3A_403 = tpu.vector_load %arg19[%swap3A_401, %swap3A_402] {strides = array<i32>} : memref<72x128xf32, #tpu.memory_space<vmem>>, vector<16xf32>,
        tpu.vector_store %arg19[%swap3A_401, %swap3A_402], %mul3A_400 {strides = array<i32>} : memref<72x128xf32, #tpu.memory_space<vmem>>, vector<16xf32>,
        %get3A_404 = arith.index_cast %add3A_381 : i32 to index
        %get3A_405 = arith.constant 48 : index
        %get3A_406 = tpu.vector_load %arg19[%get3A_404, %get3A_405] {strides = array<i32>} : memref<72x128xf32, #tpu.memory_space<vmem>>, vector<16xf32>,
        %mul3A_407 = arith.mulf %get3A_406, %gather3A : vector<16xf32>
        %swap3A_408 = arith.index_cast %add3A_381 : i32 to index
        %swap3A_409 = arith.constant 48 : index
        %swap3A_410 = tpu.vector_load %arg19[%swap3A_408, %swap3A_409] {strides = array<i32>} : memref<72x128xf32, #tpu.memory_space<vmem>>, vector<16xf32>,
        tpu.vector_store %arg19[%swap3A_408, %swap3A_409], %mul3A_407 {strides = array<i32>} : memref<72x128xf32, #tpu.memory_space<vmem>>, vector<16xf32>,
        %get3A_411 = arith.index_cast %add3A_381 : i32 to index
        %get3A_412 = arith.constant 64 : index
        %get3A_413 = tpu.vector_load %arg19[%get3A_411, %get3A_412] {strides = array<i32>} : memref<72x128xf32, #tpu.memory_space<vmem>>, vector<16xf32>,
        %mul3A_414 = arith.mulf %get3A_413, %gather3A : vector<16xf32>
        %swap3A_415 = arith.index_cast %add3A_381 : i32 to index
        %swap3A_416 = arith.constant 64 : index
        %swap3A_417 = tpu.vector_load %arg19[%swap3A_415, %swap3A_416] {strides = array<i32>} : memref<72x128xf32, #tpu.memory_space<vmem>>, vector<16xf32>,
        tpu.vector_store %arg19[%swap3A_415, %swap3A_416], %mul3A_414 {strides = array<i32>} : memref<72x128xf32, #tpu.memory_space<vmem>>, vector<16xf32>,
        %get3A_418 = arith.index_cast %add3A_381 : i32 to index
        %get3A_419 = arith.constant 80 : index
        %get3A_420 = tpu.vector_load %arg19[%get3A_418, %get3A_419] {strides = array<i32>} : memref<72x128xf32, #tpu.memory_space<vmem>>, vector<16xf32>,
        %mul3A_421 = arith.mulf %get3A_420, %gather3A : vector<16xf32>
        %swap3A_422 = arith.index_cast %add3A_381 : i32 to index
        %swap3A_423 = arith.constant 80 : index
        %swap3A_424 = tpu.vector_load %arg19[%swap3A_422, %swap3A_423] {strides = array<i32>} : memref<72x128xf32, #tpu.memory_space<vmem>>, vector<16xf32>,
        tpu.vector_store %arg19[%swap3A_422, %swap3A_423], %mul3A_421 {strides = array<i32>} : memref<72x128xf32, #tpu.memory_space<vmem>>, vector<16xf32>,
        %get3A_425 = arith.index_cast %add3A_381 : i32 to index
        %get3A_426 = arith.constant 96 : index
        %get3A_427 = tpu.vector_load %arg19[%get3A_425, %get3A_426] {strides = array<i32>} : memref<72x128xf32, #tpu.memory_space<vmem>>, vector<16xf32>,
        %mul3A_428 = arith.mulf %get3A_427, %gather3A : vector<16xf32>
        %swap3A_429 = arith.index_cast %add3A_381 : i32 to index
        %swap3A_430 = arith.constant 96 : index
        %swap3A_431 = tpu.vector_load %arg19[%swap3A_429, %swap3A_430] {strides = array<i32>} : memref<72x128xf32, #tpu.memory_space<vmem>>, vector<16xf32>,
        tpu.vector_store %arg19[%swap3A_429, %swap3A_430], %mul3A_428 {strides = array<i32>} : memref<72x128xf32, #tpu.memory_space<vmem>>, vector<16xf32>,
        %get3A_432 = arith.index_cast %add3A_381 : i32 to index
        %get3A_433 = arith.constant 112 : index
        %get3A_434 = tpu.vector_load %arg19[%get3A_432, %get3A_433] {strides = array<i32>} : memref<72x128xf32, #tpu.memory_space<vmem>>, vector<16xf32>,
        %mul3A_435 = arith.mulf %get3A_434, %gather3A : vector<16xf32>
        %swap3A_436 = arith.index_cast %add3A_381 : i32 to index
        %swap3A_437 = arith.constant 112 : index
        %swap3A_438 = tpu.vector_load %arg19[%swap3A_436, %swap3A_437] {strides = array<i32>} : memref<72x128xf32, #tpu.memory_space<vmem>>, vector<16xf32>,
        tpu.vector_store %arg19[%swap3A_436, %swap3A_437], %mul3A_435 {strides = array<i32>} : memref<72x128xf32, #tpu.memory_space<vmem>>, vector<16xf32>,
      }
      %scan3A_214 = arith.constant 72 : i32
      %dma_start3A_215 = arith.constant 0 : i32
      %dma_start3A_216 = arith.constant 0 : i32
      %dma_start3A_217 = tpu.memref_slice %arg7[%dma_start3A_215, %dma_start3A_216] : memref<10000x128xf32, #tpu.memory_space<vmem_shared>> -> memref<10000x128xf32, #tpu.memory_space<vmem_shared>>
      tpu.enqueue_indirect_dma source(%arg19 : memref<72x128xf32, #tpu.memory_space<vmem>>) target(%dma_start3A_217 : memref<10000x128xf32, #tpu.memory_space<vmem_shared>>) offsets(%arg17 : memref<72xi32, #tpu.memory_space<vmem>>) semaphore(%arg23 : memref<!tpu.dma_semaphore, #tpu.memory_space<semaphore_mem>>) {add = true}
      %gt3A_218 = arith.constant 0 : i32
      %gt3A_219 = arith.cmpi sgt, %add3A_182, %gt3A_218 : i32
      %convert_element_type3A_220 = arith.extui %gt3A_219 : i1 to i32
      %cond3A_221 = arith.constant 0 : i32
      %cond3A_222 = arith.cmpi ne, %convert_element_type3A_220, %cond3A_221 : i32
      scf.if %cond3A_222 {
        %dma_wait3A_377 = arith.constant 0 : i32
        %dma_wait3A_378 = arith.constant 0 : i32
        %dma_wait3A_379 = tpu.memref_slice %arg7[%dma_wait3A_377, %dma_wait3A_378] : memref<10000x128xf32, #tpu.memory_space<vmem_shared>> -> memref<10000x128xf32, #tpu.memory_space<vmem_shared>>
        tpu.wait_indirect_dma semaphore(%arg15 : memref<!tpu.dma_semaphore, #tpu.memory_space<semaphore_mem>>) src(%arg11 : memref<72x128xf32, #tpu.memory_space<vmem>>) dst(%dma_wait3A_379 : memref<10000x128xf32, #tpu.memory_space<vmem_shared>>)
      } else {
      }
      %add3A_223 = arith.constant 4 : i32
      %add3A_224 = arith.addi %add3A_182, %add3A_223 : i32
      %lt3A_225 = arith.constant 140 : i32
      %lt3A_226 = arith.cmpi slt, %add3A_224, %lt3A_225 : i32
      %convert_element_type3A_227 = arith.extui %lt3A_226 : i1 to i32
      %cond3A_228 = arith.constant 0 : i32
      %cond3A_229 = arith.cmpi ne, %convert_element_type3A_227, %cond3A_228 : i32
      scf.if %cond3A_229 {
        %add3A_377 = arith.constant 4 : i32
        %add3A_378 = arith.addi %add3A_182, %add3A_377 : i32
        %add3A_379 = arith.addi %mul3A_2, %add3A_378 : i32
        %mul3A_380 = arith.constant 72 : i32
        %mul3A_381 = arith.muli %add3A_379, %mul3A_380 : i32
        %dma_start3A_382 = tpu.memref_slice %arg2[%mul3A_381] : memref<322560xi32, #tpu.memory_space<hbm>> -> memref<72xi32, #tpu.memory_space<hbm>>
        %dma_start3A_383 = tpu.memref_slice %arg2[%mul3A_381] : memref<322560xi32, #tpu.memory_space<hbm>> -> memref<72xi32, #tpu.memory_space<hbm>>
        tpu.enqueue_dma source(%dma_start3A_383 : memref<72xi32, #tpu.memory_space<hbm>>) target(%arg9 : memref<72xi32, #tpu.memory_space<vmem>>) target_semaphore(%arg13 : memref<!tpu.dma_semaphore, #tpu.memory_space<semaphore_mem>>)
        %add3A_384 = arith.addi %mul3A_2, %add3A_378 : i32
        %mul3A_385 = arith.constant 72 : i32
        %mul3A_386 = arith.muli %add3A_384, %mul3A_385 : i32
        %dma_start3A_387 = tpu.memref_slice %arg4[%mul3A_386] : memref<322560xf32, #tpu.memory_space<hbm>> -> memref<72xf32, #tpu.memory_space<hbm>>
        %dma_start3A_388 = tpu.memref_slice %arg4[%mul3A_386] : memref<322560xf32, #tpu.memory_space<hbm>> -> memref<72xf32, #tpu.memory_space<hbm>>
        tpu.enqueue_dma source(%dma_start3A_388 : memref<72xf32, #tpu.memory_space<hbm>>) target(%arg10 : memref<72xf32, #tpu.memory_space<vmem>>) target_semaphore(%arg13 : memref<!tpu.dma_semaphore, #tpu.memory_space<semaphore_mem>>)
      } else {
      }
      %add3A_230 = arith.constant 2 : i32
      %add3A_231 = arith.addi %add3A_133, %add3A_230 : i32
      %add3A_232 = arith.constant 3 : i32
      %add3A_233 = arith.addi %add3A_231, %add3A_232 : i32
      %lt3A_234 = arith.constant 140 : i32
      %lt3A_235 = arith.cmpi slt, %add3A_233, %lt3A_234 : i32
      %convert_element_type3A_236 = arith.extui %lt3A_235 : i1 to i32
      %cond3A_237 = arith.constant 0 : i32
      %cond3A_238 = arith.cmpi ne, %convert_element_type3A_236, %cond3A_237 : i32
      scf.if %cond3A_238 {
        %add3A_377 = arith.constant 3 : i32
        %add3A_378 = arith.addi %add3A_231, %add3A_377 : i32
        %add3A_379 = arith.addi %mul3A_2, %add3A_378 : i32
        %mul3A_380 = arith.constant 72 : i32
        %mul3A_381 = arith.muli %add3A_379, %mul3A_380 : i32
        %dma_wait3A_382 = tpu.memref_slice %arg3[%mul3A_381] : memref<322560xi32, #tpu.memory_space<hbm>> -> memref<72xi32, #tpu.memory_space<hbm>>
        %dma_wait3A_383 = tpu.memref_slice %arg3[%mul3A_381] : memref<322560xi32, #tpu.memory_space<hbm>> -> memref<72xi32, #tpu.memory_space<hbm>>
        tpu.wait_dma2 semaphore(%arg12 : memref<!tpu.dma_semaphore, #tpu.memory_space<semaphore_mem>>) src(%dma_wait3A_383 : memref<72xi32, #tpu.memory_space<hbm>>) dst(%arg8 : memref<72xi32, #tpu.memory_space<vmem>>)
        %dma_start3A_384 = arith.constant 0 : i32
        %dma_start3A_385 = arith.constant 0 : i32
        %dma_start3A_386 = tpu.memref_slice %arg5[%dma_start3A_384, %dma_start3A_385] : memref<10000x128xf32, #tpu.memory_space<hbm>> -> memref<10000x128xf32, #tpu.memory_space<hbm>>
        tpu.enqueue_indirect_dma source(%dma_start3A_386 : memref<10000x128xf32, #tpu.memory_space<hbm>>) target(%arg11 : memref<72x128xf32, #tpu.memory_space<vmem>>) offsets(%arg8 : memref<72xi32, #tpu.memory_space<vmem>>) semaphore(%arg14 : memref<!tpu.dma_semaphore, #tpu.memory_space<semaphore_mem>>)
      } else {
      }
      %dma_wait3A_239 = arith.constant 0 : i32
      %dma_wait3A_240 = arith.constant 0 : i32
      %dma_wait3A_241 = tpu.memref_slice %arg5[%dma_wait3A_239, %dma_wait3A_240] : memref<10000x128xf32, #tpu.memory_space<hbm>> -> memref<10000x128xf32, #tpu.memory_space<hbm>>
      tpu.wait_indirect_dma semaphore(%arg30 : memref<!tpu.dma_semaphore, #tpu.memory_space<semaphore_mem>>) src(%dma_wait3A_241 : memref<10000x128xf32, #tpu.memory_space<hbm>>) dst(%arg27 : memref<72x128xf32, #tpu.memory_space<vmem>>)
      %add3A_242 = arith.constant 4 : i32
      %add3A_243 = arith.addi %add3A_231, %add3A_242 : i32
      %lt3A_244 = arith.constant 140 : i32
      %lt3A_245 = arith.cmpi slt, %add3A_243, %lt3A_244 : i32
      %convert_element_type3A_246 = arith.extui %lt3A_245 : i1 to i32
      %cond3A_247 = arith.constant 0 : i32
      %cond3A_248 = arith.cmpi ne, %convert_element_type3A_246, %cond3A_247 : i32
      scf.if %cond3A_248 {
        %add3A_377 = arith.constant 4 : i32
        %add3A_378 = arith.addi %add3A_231, %add3A_377 : i32
        %add3A_379 = arith.addi %mul3A_2, %add3A_378 : i32
        %mul3A_380 = arith.constant 72 : i32
        %mul3A_381 = arith.muli %add3A_379, %mul3A_380 : i32
        %dma_start3A_382 = tpu.memref_slice %arg3[%mul3A_381] : memref<322560xi32, #tpu.memory_space<hbm>> -> memref<72xi32, #tpu.memory_space<hbm>>
        %dma_start3A_383 = tpu.memref_slice %arg3[%mul3A_381] : memref<322560xi32, #tpu.memory_space<hbm>> -> memref<72xi32, #tpu.memory_space<hbm>>
        tpu.enqueue_dma source(%dma_start3A_383 : memref<72xi32, #tpu.memory_space<hbm>>) target(%arg16 : memref<72xi32, #tpu.memory_space<vmem>>) target_semaphore(%arg20 : memref<!tpu.dma_semaphore, #tpu.memory_space<semaphore_mem>>)
      } else {
      }
      %add3A_249 = arith.addi %mul3A_2, %add3A_231 : i32
      %mul3A_250 = arith.constant 72 : i32
      %mul3A_251 = arith.muli %add3A_249, %mul3A_250 : i32
      %dma_wait3A_252 = tpu.memref_slice %arg2[%mul3A_251] : memref<322560xi32, #tpu.memory_space<hbm>> -> memref<72xi32, #tpu.memory_space<hbm>>
      %dma_wait3A_253 = tpu.memref_slice %arg2[%mul3A_251] : memref<322560xi32, #tpu.memory_space<hbm>> -> memref<72xi32, #tpu.memory_space<hbm>>
      tpu.wait_dma2 semaphore(%arg29 : memref<!tpu.dma_semaphore, #tpu.memory_space<semaphore_mem>>) src(%dma_wait3A_253 : memref<72xi32, #tpu.memory_space<hbm>>) dst(%arg25 : memref<72xi32, #tpu.memory_space<vmem>>)
      %add3A_254 = arith.addi %mul3A_2, %add3A_231 : i32
      %mul3A_255 = arith.constant 72 : i32
      %mul3A_256 = arith.muli %add3A_254, %mul3A_255 : i32
      %dma_wait3A_257 = tpu.memref_slice %arg4[%mul3A_256] : memref<322560xf32, #tpu.memory_space<hbm>> -> memref<72xf32, #tpu.memory_space<hbm>>
      %dma_wait3A_258 = tpu.memref_slice %arg4[%mul3A_256] : memref<322560xf32, #tpu.memory_space<hbm>> -> memref<72xf32, #tpu.memory_space<hbm>>
      tpu.wait_dma2 semaphore(%arg29 : memref<!tpu.dma_semaphore, #tpu.memory_space<semaphore_mem>>) src(%dma_wait3A_258 : memref<72xf32, #tpu.memory_space<hbm>>) dst(%arg26 : memref<72xf32, #tpu.memory_space<vmem>>)
      %scan3A_259 = arith.constant 0 : i32
      %scan3A_260 = arith.constant 72 : i32
      %scan3A_261 = arith.addi %scan3A_259, %scan3A_260 : i32
      %scan3A_262 = arith.constant 1 : i32
      scf.for %scan3A_377 = %scan3A_259 to %scan3A_261 step %scan3A_262  : i32 {
        %mul3A_378 = arith.constant 1 : i32
        %mul3A_379 = arith.muli %scan3A_377, %mul3A_378 : i32
        %add3A_380 = arith.constant 0 : i32
        %add3A_381 = arith.addi %add3A_380, %mul3A_379 : i32
        %broadcast_in_dim3A = arith.constant 0 : i32
        %broadcast_in_dim3A_382 = vector.broadcast %broadcast_in_dim3A : i32 to vector<16xi32>
        %add3A_383 = vector.broadcast %add3A_381 : i32 to vector<16xi32>
        %add3A_384 = arith.addi %broadcast_in_dim3A_382, %add3A_383 : vector<16xi32>
        %gather3A = tpu.vector_load_idx %arg26[%add3A_384] : memref<72xf32, #tpu.memory_space<vmem>>[vector<16xi32>], vector<16xf32>,
        %get3A = arith.index_cast %add3A_381 : i32 to index
        %get3A_385 = arith.constant 0 : index
        %get3A_386 = tpu.vector_load %arg27[%get3A, %get3A_385] {strides = array<i32>} : memref<72x128xf32, #tpu.memory_space<vmem>>, vector<16xf32>,
        %mul3A_387 = arith.mulf %get3A_386, %gather3A : vector<16xf32>
        %swap3A = arith.index_cast %add3A_381 : i32 to index
        %swap3A_388 = arith.constant 0 : index
        %swap3A_389 = tpu.vector_load %arg27[%swap3A, %swap3A_388] {strides = array<i32>} : memref<72x128xf32, #tpu.memory_space<vmem>>, vector<16xf32>,
        tpu.vector_store %arg27[%swap3A, %swap3A_388], %mul3A_387 {strides = array<i32>} : memref<72x128xf32, #tpu.memory_space<vmem>>, vector<16xf32>,
        %get3A_390 = arith.index_cast %add3A_381 : i32 to index
        %get3A_391 = arith.constant 16 : index
        %get3A_392 = tpu.vector_load %arg27[%get3A_390, %get3A_391] {strides = array<i32>} : memref<72x128xf32, #tpu.memory_space<vmem>>, vector<16xf32>,
        %mul3A_393 = arith.mulf %get3A_392, %gather3A : vector<16xf32>
        %swap3A_394 = arith.index_cast %add3A_381 : i32 to index
        %swap3A_395 = arith.constant 16 : index
        %swap3A_396 = tpu.vector_load %arg27[%swap3A_394, %swap3A_395] {strides = array<i32>} : memref<72x128xf32, #tpu.memory_space<vmem>>, vector<16xf32>,
        tpu.vector_store %arg27[%swap3A_394, %swap3A_395], %mul3A_393 {strides = array<i32>} : memref<72x128xf32, #tpu.memory_space<vmem>>, vector<16xf32>,
        %get3A_397 = arith.index_cast %add3A_381 : i32 to index
        %get3A_398 = arith.constant 32 : index
        %get3A_399 = tpu.vector_load %arg27[%get3A_397, %get3A_398] {strides = array<i32>} : memref<72x128xf32, #tpu.memory_space<vmem>>, vector<16xf32>,
        %mul3A_400 = arith.mulf %get3A_399, %gather3A : vector<16xf32>
        %swap3A_401 = arith.index_cast %add3A_381 : i32 to index
        %swap3A_402 = arith.constant 32 : index
        %swap3A_403 = tpu.vector_load %arg27[%swap3A_401, %swap3A_402] {strides = array<i32>} : memref<72x128xf32, #tpu.memory_space<vmem>>, vector<16xf32>,
        tpu.vector_store %arg27[%swap3A_401, %swap3A_402], %mul3A_400 {strides = array<i32>} : memref<72x128xf32, #tpu.memory_space<vmem>>, vector<16xf32>,
        %get3A_404 = arith.index_cast %add3A_381 : i32 to index
        %get3A_405 = arith.constant 48 : index
        %get3A_406 = tpu.vector_load %arg27[%get3A_404, %get3A_405] {strides = array<i32>} : memref<72x128xf32, #tpu.memory_space<vmem>>, vector<16xf32>,
        %mul3A_407 = arith.mulf %get3A_406, %gather3A : vector<16xf32>
        %swap3A_408 = arith.index_cast %add3A_381 : i32 to index
        %swap3A_409 = arith.constant 48 : index
        %swap3A_410 = tpu.vector_load %arg27[%swap3A_408, %swap3A_409] {strides = array<i32>} : memref<72x128xf32, #tpu.memory_space<vmem>>, vector<16xf32>,
        tpu.vector_store %arg27[%swap3A_408, %swap3A_409], %mul3A_407 {strides = array<i32>} : memref<72x128xf32, #tpu.memory_space<vmem>>, vector<16xf32>,
        %get3A_411 = arith.index_cast %add3A_381 : i32 to index
        %get3A_412 = arith.constant 64 : index
        %get3A_413 = tpu.vector_load %arg27[%get3A_411, %get3A_412] {strides = array<i32>} : memref<72x128xf32, #tpu.memory_space<vmem>>, vector<16xf32>,
        %mul3A_414 = arith.mulf %get3A_413, %gather3A : vector<16xf32>
        %swap3A_415 = arith.index_cast %add3A_381 : i32 to index
        %swap3A_416 = arith.constant 64 : index
        %swap3A_417 = tpu.vector_load %arg27[%swap3A_415, %swap3A_416] {strides = array<i32>} : memref<72x128xf32, #tpu.memory_space<vmem>>, vector<16xf32>,
        tpu.vector_store %arg27[%swap3A_415, %swap3A_416], %mul3A_414 {strides = array<i32>} : memref<72x128xf32, #tpu.memory_space<vmem>>, vector<16xf32>,
        %get3A_418 = arith.index_cast %add3A_381 : i32 to index
        %get3A_419 = arith.constant 80 : index
        %get3A_420 = tpu.vector_load %arg27[%get3A_418, %get3A_419] {strides = array<i32>} : memref<72x128xf32, #tpu.memory_space<vmem>>, vector<16xf32>,
        %mul3A_421 = arith.mulf %get3A_420, %gather3A : vector<16xf32>
        %swap3A_422 = arith.index_cast %add3A_381 : i32 to index
        %swap3A_423 = arith.constant 80 : index
        %swap3A_424 = tpu.vector_load %arg27[%swap3A_422, %swap3A_423] {strides = array<i32>} : memref<72x128xf32, #tpu.memory_space<vmem>>, vector<16xf32>,
        tpu.vector_store %arg27[%swap3A_422, %swap3A_423], %mul3A_421 {strides = array<i32>} : memref<72x128xf32, #tpu.memory_space<vmem>>, vector<16xf32>,
        %get3A_425 = arith.index_cast %add3A_381 : i32 to index
        %get3A_426 = arith.constant 96 : index
        %get3A_427 = tpu.vector_load %arg27[%get3A_425, %get3A_426] {strides = array<i32>} : memref<72x128xf32, #tpu.memory_space<vmem>>, vector<16xf32>,
        %mul3A_428 = arith.mulf %get3A_427, %gather3A : vector<16xf32>
        %swap3A_429 = arith.index_cast %add3A_381 : i32 to index
        %swap3A_430 = arith.constant 96 : index
        %swap3A_431 = tpu.vector_load %arg27[%swap3A_429, %swap3A_430] {strides = array<i32>} : memref<72x128xf32, #tpu.memory_space<vmem>>, vector<16xf32>,
        tpu.vector_store %arg27[%swap3A_429, %swap3A_430], %mul3A_428 {strides = array<i32>} : memref<72x128xf32, #tpu.memory_space<vmem>>, vector<16xf32>,
        %get3A_432 = arith.index_cast %add3A_381 : i32 to index
        %get3A_433 = arith.constant 112 : index
        %get3A_434 = tpu.vector_load %arg27[%get3A_432, %get3A_433] {strides = array<i32>} : memref<72x128xf32, #tpu.memory_space<vmem>>, vector<16xf32>,
        %mul3A_435 = arith.mulf %get3A_434, %gather3A : vector<16xf32>
        %swap3A_436 = arith.index_cast %add3A_381 : i32 to index
        %swap3A_437 = arith.constant 112 : index
        %swap3A_438 = tpu.vector_load %arg27[%swap3A_436, %swap3A_437] {strides = array<i32>} : memref<72x128xf32, #tpu.memory_space<vmem>>, vector<16xf32>,
        tpu.vector_store %arg27[%swap3A_436, %swap3A_437], %mul3A_435 {strides = array<i32>} : memref<72x128xf32, #tpu.memory_space<vmem>>, vector<16xf32>,
      }
      %scan3A_263 = arith.constant 72 : i32
      %dma_start3A_264 = arith.constant 0 : i32
      %dma_start3A_265 = arith.constant 0 : i32
      %dma_start3A_266 = tpu.memref_slice %arg7[%dma_start3A_264, %dma_start3A_265] : memref<10000x128xf32, #tpu.memory_space<vmem_shared>> -> memref<10000x128xf32, #tpu.memory_space<vmem_shared>>
      tpu.enqueue_indirect_dma source(%arg27 : memref<72x128xf32, #tpu.memory_space<vmem>>) target(%dma_start3A_266 : memref<10000x128xf32, #tpu.memory_space<vmem_shared>>) offsets(%arg25 : memref<72xi32, #tpu.memory_space<vmem>>) semaphore(%arg31 : memref<!tpu.dma_semaphore, #tpu.memory_space<semaphore_mem>>) {add = true}
      %gt3A_267 = arith.constant 0 : i32
      %gt3A_268 = arith.cmpi sgt, %add3A_231, %gt3A_267 : i32
      %convert_element_type3A_269 = arith.extui %gt3A_268 : i1 to i32
      %cond3A_270 = arith.constant 0 : i32
      %cond3A_271 = arith.cmpi ne, %convert_element_type3A_269, %cond3A_270 : i32
      scf.if %cond3A_271 {
        %dma_wait3A_377 = arith.constant 0 : i32
        %dma_wait3A_378 = arith.constant 0 : i32
        %dma_wait3A_379 = tpu.memref_slice %arg7[%dma_wait3A_377, %dma_wait3A_378] : memref<10000x128xf32, #tpu.memory_space<vmem_shared>> -> memref<10000x128xf32, #tpu.memory_space<vmem_shared>>
        tpu.wait_indirect_dma semaphore(%arg23 : memref<!tpu.dma_semaphore, #tpu.memory_space<semaphore_mem>>) src(%arg19 : memref<72x128xf32, #tpu.memory_space<vmem>>) dst(%dma_wait3A_379 : memref<10000x128xf32, #tpu.memory_space<vmem_shared>>)
      } else {
      }
      %add3A_272 = arith.constant 4 : i32
      %add3A_273 = arith.addi %add3A_231, %add3A_272 : i32
      %lt3A_274 = arith.constant 140 : i32
      %lt3A_275 = arith.cmpi slt, %add3A_273, %lt3A_274 : i32
      %convert_element_type3A_276 = arith.extui %lt3A_275 : i1 to i32
      %cond3A_277 = arith.constant 0 : i32
      %cond3A_278 = arith.cmpi ne, %convert_element_type3A_276, %cond3A_277 : i32
      scf.if %cond3A_278 {
        %add3A_377 = arith.constant 4 : i32
        %add3A_378 = arith.addi %add3A_231, %add3A_377 : i32
        %add3A_379 = arith.addi %mul3A_2, %add3A_378 : i32
        %mul3A_380 = arith.constant 72 : i32
        %mul3A_381 = arith.muli %add3A_379, %mul3A_380 : i32
        %dma_start3A_382 = tpu.memref_slice %arg2[%mul3A_381] : memref<322560xi32, #tpu.memory_space<hbm>> -> memref<72xi32, #tpu.memory_space<hbm>>
        %dma_start3A_383 = tpu.memref_slice %arg2[%mul3A_381] : memref<322560xi32, #tpu.memory_space<hbm>> -> memref<72xi32, #tpu.memory_space<hbm>>
        tpu.enqueue_dma source(%dma_start3A_383 : memref<72xi32, #tpu.memory_space<hbm>>) target(%arg17 : memref<72xi32, #tpu.memory_space<vmem>>) target_semaphore(%arg21 : memref<!tpu.dma_semaphore, #tpu.memory_space<semaphore_mem>>)
        %add3A_384 = arith.addi %mul3A_2, %add3A_378 : i32
        %mul3A_385 = arith.constant 72 : i32
        %mul3A_386 = arith.muli %add3A_384, %mul3A_385 : i32
        %dma_start3A_387 = tpu.memref_slice %arg4[%mul3A_386] : memref<322560xf32, #tpu.memory_space<hbm>> -> memref<72xf32, #tpu.memory_space<hbm>>
        %dma_start3A_388 = tpu.memref_slice %arg4[%mul3A_386] : memref<322560xf32, #tpu.memory_space<hbm>> -> memref<72xf32, #tpu.memory_space<hbm>>
        tpu.enqueue_dma source(%dma_start3A_388 : memref<72xf32, #tpu.memory_space<hbm>>) target(%arg18 : memref<72xf32, #tpu.memory_space<vmem>>) target_semaphore(%arg21 : memref<!tpu.dma_semaphore, #tpu.memory_space<semaphore_mem>>)
      } else {
      }
      %add3A_279 = arith.constant 3 : i32
      %add3A_280 = arith.addi %add3A_133, %add3A_279 : i32
      %add3A_281 = arith.constant 3 : i32
      %add3A_282 = arith.addi %add3A_280, %add3A_281 : i32
      %lt3A_283 = arith.constant 140 : i32
      %lt3A_284 = arith.cmpi slt, %add3A_282, %lt3A_283 : i32
      %convert_element_type3A_285 = arith.extui %lt3A_284 : i1 to i32
      %cond3A_286 = arith.constant 0 : i32
      %cond3A_287 = arith.cmpi ne, %convert_element_type3A_285, %cond3A_286 : i32
      scf.if %cond3A_287 {
        %add3A_377 = arith.constant 3 : i32
        %add3A_378 = arith.addi %add3A_280, %add3A_377 : i32
        %add3A_379 = arith.addi %mul3A_2, %add3A_378 : i32
        %mul3A_380 = arith.constant 72 : i32
        %mul3A_381 = arith.muli %add3A_379, %mul3A_380 : i32
        %dma_wait3A_382 = tpu.memref_slice %arg3[%mul3A_381] : memref<322560xi32, #tpu.memory_space<hbm>> -> memref<72xi32, #tpu.memory_space<hbm>>
        %dma_wait3A_383 = tpu.memref_slice %arg3[%mul3A_381] : memref<322560xi32, #tpu.memory_space<hbm>> -> memref<72xi32, #tpu.memory_space<hbm>>
        tpu.wait_dma2 semaphore(%arg20 : memref<!tpu.dma_semaphore, #tpu.memory_space<semaphore_mem>>) src(%dma_wait3A_383 : memref<72xi32, #tpu.memory_space<hbm>>) dst(%arg16 : memref<72xi32, #tpu.memory_space<vmem>>)
        %dma_start3A_384 = arith.constant 0 : i32
        %dma_start3A_385 = arith.constant 0 : i32
        %dma_start3A_386 = tpu.memref_slice %arg5[%dma_start3A_384, %dma_start3A_385] : memref<10000x128xf32, #tpu.memory_space<hbm>> -> memref<10000x128xf32, #tpu.memory_space<hbm>>
        tpu.enqueue_indirect_dma source(%dma_start3A_386 : memref<10000x128xf32, #tpu.memory_space<hbm>>) target(%arg19 : memref<72x128xf32, #tpu.memory_space<vmem>>) offsets(%arg16 : memref<72xi32, #tpu.memory_space<vmem>>) semaphore(%arg22 : memref<!tpu.dma_semaphore, #tpu.memory_space<semaphore_mem>>)
      } else {
      }
      %dma_wait3A_288 = arith.constant 0 : i32
      %dma_wait3A_289 = arith.constant 0 : i32
      %dma_wait3A_290 = tpu.memref_slice %arg5[%dma_wait3A_288, %dma_wait3A_289] : memref<10000x128xf32, #tpu.memory_space<hbm>> -> memref<10000x128xf32, #tpu.memory_space<hbm>>
      tpu.wait_indirect_dma semaphore(%arg38 : memref<!tpu.dma_semaphore, #tpu.memory_space<semaphore_mem>>) src(%dma_wait3A_290 : memref<10000x128xf32, #tpu.memory_space<hbm>>) dst(%arg35 : memref<72x128xf32, #tpu.memory_space<vmem>>)
      %add3A_291 = arith.constant 4 : i32
      %add3A_292 = arith.addi %add3A_280, %add3A_291 : i32
      %lt3A_293 = arith.constant 140 : i32
      %lt3A_294 = arith.cmpi slt, %add3A_292, %lt3A_293 : i32
      %convert_element_type3A_295 = arith.extui %lt3A_294 : i1 to i32
      %cond3A_296 = arith.constant 0 : i32
      %cond3A_297 = arith.cmpi ne, %convert_element_type3A_295, %cond3A_296 : i32
      scf.if %cond3A_297 {
        %add3A_377 = arith.constant 4 : i32
        %add3A_378 = arith.addi %add3A_280, %add3A_377 : i32
        %add3A_379 = arith.addi %mul3A_2, %add3A_378 : i32
        %mul3A_380 = arith.constant 72 : i32
        %mul3A_381 = arith.muli %add3A_379, %mul3A_380 : i32
        %dma_start3A_382 = tpu.memref_slice %arg3[%mul3A_381] : memref<322560xi32, #tpu.memory_space<hbm>> -> memref<72xi32, #tpu.memory_space<hbm>>
        %dma_start3A_383 = tpu.memref_slice %arg3[%mul3A_381] : memref<322560xi32, #tpu.memory_space<hbm>> -> memref<72xi32, #tpu.memory_space<hbm>>
        tpu.enqueue_dma source(%dma_start3A_383 : memref<72xi32, #tpu.memory_space<hbm>>) target(%arg24 : memref<72xi32, #tpu.memory_space<vmem>>) target_semaphore(%arg28 : memref<!tpu.dma_semaphore, #tpu.memory_space<semaphore_mem>>)
      } else {
      }
      %add3A_298 = arith.addi %mul3A_2, %add3A_280 : i32
      %mul3A_299 = arith.constant 72 : i32
      %mul3A_300 = arith.muli %add3A_298, %mul3A_299 : i32
      %dma_wait3A_301 = tpu.memref_slice %arg2[%mul3A_300] : memref<322560xi32, #tpu.memory_space<hbm>> -> memref<72xi32, #tpu.memory_space<hbm>>
      %dma_wait3A_302 = tpu.memref_slice %arg2[%mul3A_300] : memref<322560xi32, #tpu.memory_space<hbm>> -> memref<72xi32, #tpu.memory_space<hbm>>
      tpu.wait_dma2 semaphore(%arg37 : memref<!tpu.dma_semaphore, #tpu.memory_space<semaphore_mem>>) src(%dma_wait3A_302 : memref<72xi32, #tpu.memory_space<hbm>>) dst(%arg33 : memref<72xi32, #tpu.memory_space<vmem>>)
      %add3A_303 = arith.addi %mul3A_2, %add3A_280 : i32
      %mul3A_304 = arith.constant 72 : i32
      %mul3A_305 = arith.muli %add3A_303, %mul3A_304 : i32
      %dma_wait3A_306 = tpu.memref_slice %arg4[%mul3A_305] : memref<322560xf32, #tpu.memory_space<hbm>> -> memref<72xf32, #tpu.memory_space<hbm>>
      %dma_wait3A_307 = tpu.memref_slice %arg4[%mul3A_305] : memref<322560xf32, #tpu.memory_space<hbm>> -> memref<72xf32, #tpu.memory_space<hbm>>
      tpu.wait_dma2 semaphore(%arg37 : memref<!tpu.dma_semaphore, #tpu.memory_space<semaphore_mem>>) src(%dma_wait3A_307 : memref<72xf32, #tpu.memory_space<hbm>>) dst(%arg34 : memref<72xf32, #tpu.memory_space<vmem>>)
      %scan3A_308 = arith.constant 0 : i32
      %scan3A_309 = arith.constant 72 : i32
      %scan3A_310 = arith.addi %scan3A_308, %scan3A_309 : i32
      %scan3A_311 = arith.constant 1 : i32
      scf.for %scan3A_377 = %scan3A_308 to %scan3A_310 step %scan3A_311  : i32 {
        %mul3A_378 = arith.constant 1 : i32
        %mul3A_379 = arith.muli %scan3A_377, %mul3A_378 : i32
        %add3A_380 = arith.constant 0 : i32
        %add3A_381 = arith.addi %add3A_380, %mul3A_379 : i32
        %broadcast_in_dim3A = arith.constant 0 : i32
        %broadcast_in_dim3A_382 = vector.broadcast %broadcast_in_dim3A : i32 to vector<16xi32>
        %add3A_383 = vector.broadcast %add3A_381 : i32 to vector<16xi32>
        %add3A_384 = arith.addi %broadcast_in_dim3A_382, %add3A_383 : vector<16xi32>
        %gather3A = tpu.vector_load_idx %arg34[%add3A_384] : memref<72xf32, #tpu.memory_space<vmem>>[vector<16xi32>], vector<16xf32>,
        %get3A = arith.index_cast %add3A_381 : i32 to index
        %get3A_385 = arith.constant 0 : index
        %get3A_386 = tpu.vector_load %arg35[%get3A, %get3A_385] {strides = array<i32>} : memref<72x128xf32, #tpu.memory_space<vmem>>, vector<16xf32>,
        %mul3A_387 = arith.mulf %get3A_386, %gather3A : vector<16xf32>
        %swap3A = arith.index_cast %add3A_381 : i32 to index
        %swap3A_388 = arith.constant 0 : index
        %swap3A_389 = tpu.vector_load %arg35[%swap3A, %swap3A_388] {strides = array<i32>} : memref<72x128xf32, #tpu.memory_space<vmem>>, vector<16xf32>,
        tpu.vector_store %arg35[%swap3A, %swap3A_388], %mul3A_387 {strides = array<i32>} : memref<72x128xf32, #tpu.memory_space<vmem>>, vector<16xf32>,
        %get3A_390 = arith.index_cast %add3A_381 : i32 to index
        %get3A_391 = arith.constant 16 : index
        %get3A_392 = tpu.vector_load %arg35[%get3A_390, %get3A_391] {strides = array<i32>} : memref<72x128xf32, #tpu.memory_space<vmem>>, vector<16xf32>,
        %mul3A_393 = arith.mulf %get3A_392, %gather3A : vector<16xf32>
        %swap3A_394 = arith.index_cast %add3A_381 : i32 to index
        %swap3A_395 = arith.constant 16 : index
        %swap3A_396 = tpu.vector_load %arg35[%swap3A_394, %swap3A_395] {strides = array<i32>} : memref<72x128xf32, #tpu.memory_space<vmem>>, vector<16xf32>,
        tpu.vector_store %arg35[%swap3A_394, %swap3A_395], %mul3A_393 {strides = array<i32>} : memref<72x128xf32, #tpu.memory_space<vmem>>, vector<16xf32>,
        %get3A_397 = arith.index_cast %add3A_381 : i32 to index
        %get3A_398 = arith.constant 32 : index
        %get3A_399 = tpu.vector_load %arg35[%get3A_397, %get3A_398] {strides = array<i32>} : memref<72x128xf32, #tpu.memory_space<vmem>>, vector<16xf32>,
        %mul3A_400 = arith.mulf %get3A_399, %gather3A : vector<16xf32>
        %swap3A_401 = arith.index_cast %add3A_381 : i32 to index
        %swap3A_402 = arith.constant 32 : index
        %swap3A_403 = tpu.vector_load %arg35[%swap3A_401, %swap3A_402] {strides = array<i32>} : memref<72x128xf32, #tpu.memory_space<vmem>>, vector<16xf32>,
        tpu.vector_store %arg35[%swap3A_401, %swap3A_402], %mul3A_400 {strides = array<i32>} : memref<72x128xf32, #tpu.memory_space<vmem>>, vector<16xf32>,
        %get3A_404 = arith.index_cast %add3A_381 : i32 to index
        %get3A_405 = arith.constant 48 : index
        %get3A_406 = tpu.vector_load %arg35[%get3A_404, %get3A_405] {strides = array<i32>} : memref<72x128xf32, #tpu.memory_space<vmem>>, vector<16xf32>,
        %mul3A_407 = arith.mulf %get3A_406, %gather3A : vector<16xf32>
        %swap3A_408 = arith.index_cast %add3A_381 : i32 to index
        %swap3A_409 = arith.constant 48 : index
        %swap3A_410 = tpu.vector_load %arg35[%swap3A_408, %swap3A_409] {strides = array<i32>} : memref<72x128xf32, #tpu.memory_space<vmem>>, vector<16xf32>,
        tpu.vector_store %arg35[%swap3A_408, %swap3A_409], %mul3A_407 {strides = array<i32>} : memref<72x128xf32, #tpu.memory_space<vmem>>, vector<16xf32>,
        %get3A_411 = arith.index_cast %add3A_381 : i32 to index
        %get3A_412 = arith.constant 64 : index
        %get3A_413 = tpu.vector_load %arg35[%get3A_411, %get3A_412] {strides = array<i32>} : memref<72x128xf32, #tpu.memory_space<vmem>>, vector<16xf32>,
        %mul3A_414 = arith.mulf %get3A_413, %gather3A : vector<16xf32>
        %swap3A_415 = arith.index_cast %add3A_381 : i32 to index
        %swap3A_416 = arith.constant 64 : index
        %swap3A_417 = tpu.vector_load %arg35[%swap3A_415, %swap3A_416] {strides = array<i32>} : memref<72x128xf32, #tpu.memory_space<vmem>>, vector<16xf32>,
        tpu.vector_store %arg35[%swap3A_415, %swap3A_416], %mul3A_414 {strides = array<i32>} : memref<72x128xf32, #tpu.memory_space<vmem>>, vector<16xf32>,
        %get3A_418 = arith.index_cast %add3A_381 : i32 to index
        %get3A_419 = arith.constant 80 : index
        %get3A_420 = tpu.vector_load %arg35[%get3A_418, %get3A_419] {strides = array<i32>} : memref<72x128xf32, #tpu.memory_space<vmem>>, vector<16xf32>,
        %mul3A_421 = arith.mulf %get3A_420, %gather3A : vector<16xf32>
        %swap3A_422 = arith.index_cast %add3A_381 : i32 to index
        %swap3A_423 = arith.constant 80 : index
        %swap3A_424 = tpu.vector_load %arg35[%swap3A_422, %swap3A_423] {strides = array<i32>} : memref<72x128xf32, #tpu.memory_space<vmem>>, vector<16xf32>,
        tpu.vector_store %arg35[%swap3A_422, %swap3A_423], %mul3A_421 {strides = array<i32>} : memref<72x128xf32, #tpu.memory_space<vmem>>, vector<16xf32>,
        %get3A_425 = arith.index_cast %add3A_381 : i32 to index
        %get3A_426 = arith.constant 96 : index
        %get3A_427 = tpu.vector_load %arg35[%get3A_425, %get3A_426] {strides = array<i32>} : memref<72x128xf32, #tpu.memory_space<vmem>>, vector<16xf32>,
        %mul3A_428 = arith.mulf %get3A_427, %gather3A : vector<16xf32>
        %swap3A_429 = arith.index_cast %add3A_381 : i32 to index
        %swap3A_430 = arith.constant 96 : index
        %swap3A_431 = tpu.vector_load %arg35[%swap3A_429, %swap3A_430] {strides = array<i32>} : memref<72x128xf32, #tpu.memory_space<vmem>>, vector<16xf32>,
        tpu.vector_store %arg35[%swap3A_429, %swap3A_430], %mul3A_428 {strides = array<i32>} : memref<72x128xf32, #tpu.memory_space<vmem>>, vector<16xf32>,
        %get3A_432 = arith.index_cast %add3A_381 : i32 to index
        %get3A_433 = arith.constant 112 : index
        %get3A_434 = tpu.vector_load %arg35[%get3A_432, %get3A_433] {strides = array<i32>} : memref<72x128xf32, #tpu.memory_space<vmem>>, vector<16xf32>,
        %mul3A_435 = arith.mulf %get3A_434, %gather3A : vector<16xf32>
        %swap3A_436 = arith.index_cast %add3A_381 : i32 to index
        %swap3A_437 = arith.constant 112 : index
        %swap3A_438 = tpu.vector_load %arg35[%swap3A_436, %swap3A_437] {strides = array<i32>} : memref<72x128xf32, #tpu.memory_space<vmem>>, vector<16xf32>,
        tpu.vector_store %arg35[%swap3A_436, %swap3A_437], %mul3A_435 {strides = array<i32>} : memref<72x128xf32, #tpu.memory_space<vmem>>, vector<16xf32>,
      }
      %scan3A_312 = arith.constant 72 : i32
      %dma_start3A_313 = arith.constant 0 : i32
      %dma_start3A_314 = arith.constant 0 : i32
      %dma_start3A_315 = tpu.memref_slice %arg7[%dma_start3A_313, %dma_start3A_314] : memref<10000x128xf32, #tpu.memory_space<vmem_shared>> -> memref<10000x128xf32, #tpu.memory_space<vmem_shared>>
      tpu.enqueue_indirect_dma source(%arg35 : memref<72x128xf32, #tpu.memory_space<vmem>>) target(%dma_start3A_315 : memref<10000x128xf32, #tpu.memory_space<vmem_shared>>) offsets(%arg33 : memref<72xi32, #tpu.memory_space<vmem>>) semaphore(%arg39 : memref<!tpu.dma_semaphore, #tpu.memory_space<semaphore_mem>>) {add = true}
      %gt3A_316 = arith.constant 0 : i32
      %gt3A_317 = arith.cmpi sgt, %add3A_280, %gt3A_316 : i32
      %convert_element_type3A_318 = arith.extui %gt3A_317 : i1 to i32
      %cond3A_319 = arith.constant 0 : i32
      %cond3A_320 = arith.cmpi ne, %convert_element_type3A_318, %cond3A_319 : i32
      scf.if %cond3A_320 {
        %dma_wait3A_377 = arith.constant 0 : i32
        %dma_wait3A_378 = arith.constant 0 : i32
        %dma_wait3A_379 = tpu.memref_slice %arg7[%dma_wait3A_377, %dma_wait3A_378] : memref<10000x128xf32, #tpu.memory_space<vmem_shared>> -> memref<10000x128xf32, #tpu.memory_space<vmem_shared>>
        tpu.wait_indirect_dma semaphore(%arg31 : memref<!tpu.dma_semaphore, #tpu.memory_space<semaphore_mem>>) src(%arg27 : memref<72x128xf32, #tpu.memory_space<vmem>>) dst(%dma_wait3A_379 : memref<10000x128xf32, #tpu.memory_space<vmem_shared>>)
      } else {
      }
      %add3A_321 = arith.constant 4 : i32
      %add3A_322 = arith.addi %add3A_280, %add3A_321 : i32
      %lt3A_323 = arith.constant 140 : i32
      %lt3A_324 = arith.cmpi slt, %add3A_322, %lt3A_323 : i32
      %convert_element_type3A_325 = arith.extui %lt3A_324 : i1 to i32
      %cond3A_326 = arith.constant 0 : i32
      %cond3A_327 = arith.cmpi ne, %convert_element_type3A_325, %cond3A_326 : i32
      scf.if %cond3A_327 {
        %add3A_377 = arith.constant 4 : i32
        %add3A_378 = arith.addi %add3A_280, %add3A_377 : i32
        %add3A_379 = arith.addi %mul3A_2, %add3A_378 : i32
        %mul3A_380 = arith.constant 72 : i32
        %mul3A_381 = arith.muli %add3A_379, %mul3A_380 : i32
        %dma_start3A_382 = tpu.memref_slice %arg2[%mul3A_381] : memref<322560xi32, #tpu.memory_space<hbm>> -> memref<72xi32, #tpu.memory_space<hbm>>
        %dma_start3A_383 = tpu.memref_slice %arg2[%mul3A_381] : memref<322560xi32, #tpu.memory_space<hbm>> -> memref<72xi32, #tpu.memory_space<hbm>>
        tpu.enqueue_dma source(%dma_start3A_383 : memref<72xi32, #tpu.memory_space<hbm>>) target(%arg25 : memref<72xi32, #tpu.memory_space<vmem>>) target_semaphore(%arg29 : memref<!tpu.dma_semaphore, #tpu.memory_space<semaphore_mem>>)
        %add3A_384 = arith.addi %mul3A_2, %add3A_378 : i32
        %mul3A_385 = arith.constant 72 : i32
        %mul3A_386 = arith.muli %add3A_384, %mul3A_385 : i32
        %dma_start3A_387 = tpu.memref_slice %arg4[%mul3A_386] : memref<322560xf32, #tpu.memory_space<hbm>> -> memref<72xf32, #tpu.memory_space<hbm>>
        %dma_start3A_388 = tpu.memref_slice %arg4[%mul3A_386] : memref<322560xf32, #tpu.memory_space<hbm>> -> memref<72xf32, #tpu.memory_space<hbm>>
        tpu.enqueue_dma source(%dma_start3A_388 : memref<72xf32, #tpu.memory_space<hbm>>) target(%arg26 : memref<72xf32, #tpu.memory_space<vmem>>) target_semaphore(%arg29 : memref<!tpu.dma_semaphore, #tpu.memory_space<semaphore_mem>>)
      } else {
      }
      %add3A_328 = arith.constant 4 : i32
      %add3A_329 = arith.addi %add3A_133, %add3A_328 : i32
      %add3A_330 = arith.constant 3 : i32
      %add3A_331 = arith.addi %add3A_329, %add3A_330 : i32
      %lt3A_332 = arith.constant 140 : i32
      %lt3A_333 = arith.cmpi slt, %add3A_331, %lt3A_332 : i32
      %convert_element_type3A_334 = arith.extui %lt3A_333 : i1 to i32
      %cond3A_335 = arith.constant 0 : i32
      %cond3A_336 = arith.cmpi ne, %convert_element_type3A_334, %cond3A_335 : i32
      scf.if %cond3A_336 {
        %add3A_377 = arith.constant 3 : i32
        %add3A_378 = arith.addi %add3A_329, %add3A_377 : i32
        %add3A_379 = arith.addi %mul3A_2, %add3A_378 : i32
        %mul3A_380 = arith.constant 72 : i32
        %mul3A_381 = arith.muli %add3A_379, %mul3A_380 : i32
        %dma_wait3A_382 = tpu.memref_slice %arg3[%mul3A_381] : memref<322560xi32, #tpu.memory_space<hbm>> -> memref<72xi32, #tpu.memory_space<hbm>>
        %dma_wait3A_383 = tpu.memref_slice %arg3[%mul3A_381] : memref<322560xi32, #tpu.memory_space<hbm>> -> memref<72xi32, #tpu.memory_space<hbm>>
        tpu.wait_dma2 semaphore(%arg28 : memref<!tpu.dma_semaphore, #tpu.memory_space<semaphore_mem>>) src(%dma_wait3A_383 : memref<72xi32, #tpu.memory_space<hbm>>) dst(%arg24 : memref<72xi32, #tpu.memory_space<vmem>>)
        %dma_start3A_384 = arith.constant 0 : i32
        %dma_start3A_385 = arith.constant 0 : i32
        %dma_start3A_386 = tpu.memref_slice %arg5[%dma_start3A_384, %dma_start3A_385] : memref<10000x128xf32, #tpu.memory_space<hbm>> -> memref<10000x128xf32, #tpu.memory_space<hbm>>
        tpu.enqueue_indirect_dma source(%dma_start3A_386 : memref<10000x128xf32, #tpu.memory_space<hbm>>) target(%arg27 : memref<72x128xf32, #tpu.memory_space<vmem>>) offsets(%arg24 : memref<72xi32, #tpu.memory_space<vmem>>) semaphore(%arg30 : memref<!tpu.dma_semaphore, #tpu.memory_space<semaphore_mem>>)
      } else {
      }
      %dma_wait3A_337 = arith.constant 0 : i32
      %dma_wait3A_338 = arith.constant 0 : i32
      %dma_wait3A_339 = tpu.memref_slice %arg5[%dma_wait3A_337, %dma_wait3A_338] : memref<10000x128xf32, #tpu.memory_space<hbm>> -> memref<10000x128xf32, #tpu.memory_space<hbm>>
      tpu.wait_indirect_dma semaphore(%arg46 : memref<!tpu.dma_semaphore, #tpu.memory_space<semaphore_mem>>) src(%dma_wait3A_339 : memref<10000x128xf32, #tpu.memory_space<hbm>>) dst(%arg43 : memref<72x128xf32, #tpu.memory_space<vmem>>)
      %add3A_340 = arith.constant 4 : i32
      %add3A_341 = arith.addi %add3A_329, %add3A_340 : i32
      %lt3A_342 = arith.constant 140 : i32
      %lt3A_343 = arith.cmpi slt, %add3A_341, %lt3A_342 : i32
      %convert_element_type3A_344 = arith.extui %lt3A_343 : i1 to i32
      %cond3A_345 = arith.constant 0 : i32
      %cond3A_346 = arith.cmpi ne, %convert_element_type3A_344, %cond3A_345 : i32
      scf.if %cond3A_346 {
        %add3A_377 = arith.constant 4 : i32
        %add3A_378 = arith.addi %add3A_329, %add3A_377 : i32
        %add3A_379 = arith.addi %mul3A_2, %add3A_378 : i32
        %mul3A_380 = arith.constant 72 : i32
        %mul3A_381 = arith.muli %add3A_379, %mul3A_380 : i32
        %dma_start3A_382 = tpu.memref_slice %arg3[%mul3A_381] : memref<322560xi32, #tpu.memory_space<hbm>> -> memref<72xi32, #tpu.memory_space<hbm>>
        %dma_start3A_383 = tpu.memref_slice %arg3[%mul3A_381] : memref<322560xi32, #tpu.memory_space<hbm>> -> memref<72xi32, #tpu.memory_space<hbm>>
        tpu.enqueue_dma source(%dma_start3A_383 : memref<72xi32, #tpu.memory_space<hbm>>) target(%arg32 : memref<72xi32, #tpu.memory_space<vmem>>) target_semaphore(%arg36 : memref<!tpu.dma_semaphore, #tpu.memory_space<semaphore_mem>>)
      } else {
      }
      %add3A_347 = arith.addi %mul3A_2, %add3A_329 : i32
      %mul3A_348 = arith.constant 72 : i32
      %mul3A_349 = arith.muli %add3A_347, %mul3A_348 : i32
      %dma_wait3A_350 = tpu.memref_slice %arg2[%mul3A_349] : memref<322560xi32, #tpu.memory_space<hbm>> -> memref<72xi32, #tpu.memory_space<hbm>>
      %dma_wait3A_351 = tpu.memref_slice %arg2[%mul3A_349] : memref<322560xi32, #tpu.memory_space<hbm>> -> memref<72xi32, #tpu.memory_space<hbm>>
      tpu.wait_dma2 semaphore(%arg45 : memref<!tpu.dma_semaphore, #tpu.memory_space<semaphore_mem>>) src(%dma_wait3A_351 : memref<72xi32, #tpu.memory_space<hbm>>) dst(%arg41 : memref<72xi32, #tpu.memory_space<vmem>>)
      %add3A_352 = arith.addi %mul3A_2, %add3A_329 : i32
      %mul3A_353 = arith.constant 72 : i32
      %mul3A_354 = arith.muli %add3A_352, %mul3A_353 : i32
      %dma_wait3A_355 = tpu.memref_slice %arg4[%mul3A_354] : memref<322560xf32, #tpu.memory_space<hbm>> -> memref<72xf32, #tpu.memory_space<hbm>>
      %dma_wait3A_356 = tpu.memref_slice %arg4[%mul3A_354] : memref<322560xf32, #tpu.memory_space<hbm>> -> memref<72xf32, #tpu.memory_space<hbm>>
      tpu.wait_dma2 semaphore(%arg45 : memref<!tpu.dma_semaphore, #tpu.memory_space<semaphore_mem>>) src(%dma_wait3A_356 : memref<72xf32, #tpu.memory_space<hbm>>) dst(%arg42 : memref<72xf32, #tpu.memory_space<vmem>>)
      %scan3A_357 = arith.constant 0 : i32
      %scan3A_358 = arith.constant 72 : i32
      %scan3A_359 = arith.addi %scan3A_357, %scan3A_358 : i32
      %scan3A_360 = arith.constant 1 : i32
      scf.for %scan3A_377 = %scan3A_357 to %scan3A_359 step %scan3A_360  : i32 {
        %mul3A_378 = arith.constant 1 : i32
        %mul3A_379 = arith.muli %scan3A_377, %mul3A_378 : i32
        %add3A_380 = arith.constant 0 : i32
        %add3A_381 = arith.addi %add3A_380, %mul3A_379 : i32
        %broadcast_in_dim3A = arith.constant 0 : i32
        %broadcast_in_dim3A_382 = vector.broadcast %broadcast_in_dim3A : i32 to vector<16xi32>
        %add3A_383 = vector.broadcast %add3A_381 : i32 to vector<16xi32>
        %add3A_384 = arith.addi %broadcast_in_dim3A_382, %add3A_383 : vector<16xi32>
        %gather3A = tpu.vector_load_idx %arg42[%add3A_384] : memref<72xf32, #tpu.memory_space<vmem>>[vector<16xi32>], vector<16xf32>,
        %get3A = arith.index_cast %add3A_381 : i32 to index
        %get3A_385 = arith.constant 0 : index
        %get3A_386 = tpu.vector_load %arg43[%get3A, %get3A_385] {strides = array<i32>} : memref<72x128xf32, #tpu.memory_space<vmem>>, vector<16xf32>,
        %mul3A_387 = arith.mulf %get3A_386, %gather3A : vector<16xf32>
        %swap3A = arith.index_cast %add3A_381 : i32 to index
        %swap3A_388 = arith.constant 0 : index
        %swap3A_389 = tpu.vector_load %arg43[%swap3A, %swap3A_388] {strides = array<i32>} : memref<72x128xf32, #tpu.memory_space<vmem>>, vector<16xf32>,
        tpu.vector_store %arg43[%swap3A, %swap3A_388], %mul3A_387 {strides = array<i32>} : memref<72x128xf32, #tpu.memory_space<vmem>>, vector<16xf32>,
        %get3A_390 = arith.index_cast %add3A_381 : i32 to index
        %get3A_391 = arith.constant 16 : index
        %get3A_392 = tpu.vector_load %arg43[%get3A_390, %get3A_391] {strides = array<i32>} : memref<72x128xf32, #tpu.memory_space<vmem>>, vector<16xf32>,
        %mul3A_393 = arith.mulf %get3A_392, %gather3A : vector<16xf32>
        %swap3A_394 = arith.index_cast %add3A_381 : i32 to index
        %swap3A_395 = arith.constant 16 : index
        %swap3A_396 = tpu.vector_load %arg43[%swap3A_394, %swap3A_395] {strides = array<i32>} : memref<72x128xf32, #tpu.memory_space<vmem>>, vector<16xf32>,
        tpu.vector_store %arg43[%swap3A_394, %swap3A_395], %mul3A_393 {strides = array<i32>} : memref<72x128xf32, #tpu.memory_space<vmem>>, vector<16xf32>,
        %get3A_397 = arith.index_cast %add3A_381 : i32 to index
        %get3A_398 = arith.constant 32 : index
        %get3A_399 = tpu.vector_load %arg43[%get3A_397, %get3A_398] {strides = array<i32>} : memref<72x128xf32, #tpu.memory_space<vmem>>, vector<16xf32>,
        %mul3A_400 = arith.mulf %get3A_399, %gather3A : vector<16xf32>
        %swap3A_401 = arith.index_cast %add3A_381 : i32 to index
        %swap3A_402 = arith.constant 32 : index
        %swap3A_403 = tpu.vector_load %arg43[%swap3A_401, %swap3A_402] {strides = array<i32>} : memref<72x128xf32, #tpu.memory_space<vmem>>, vector<16xf32>,
        tpu.vector_store %arg43[%swap3A_401, %swap3A_402], %mul3A_400 {strides = array<i32>} : memref<72x128xf32, #tpu.memory_space<vmem>>, vector<16xf32>,
        %get3A_404 = arith.index_cast %add3A_381 : i32 to index
        %get3A_405 = arith.constant 48 : index
        %get3A_406 = tpu.vector_load %arg43[%get3A_404, %get3A_405] {strides = array<i32>} : memref<72x128xf32, #tpu.memory_space<vmem>>, vector<16xf32>,
        %mul3A_407 = arith.mulf %get3A_406, %gather3A : vector<16xf32>
        %swap3A_408 = arith.index_cast %add3A_381 : i32 to index
        %swap3A_409 = arith.constant 48 : index
        %swap3A_410 = tpu.vector_load %arg43[%swap3A_408, %swap3A_409] {strides = array<i32>} : memref<72x128xf32, #tpu.memory_space<vmem>>, vector<16xf32>,
        tpu.vector_store %arg43[%swap3A_408, %swap3A_409], %mul3A_407 {strides = array<i32>} : memref<72x128xf32, #tpu.memory_space<vmem>>, vector<16xf32>,
        %get3A_411 = arith.index_cast %add3A_381 : i32 to index
        %get3A_412 = arith.constant 64 : index
        %get3A_413 = tpu.vector_load %arg43[%get3A_411, %get3A_412] {strides = array<i32>} : memref<72x128xf32, #tpu.memory_space<vmem>>, vector<16xf32>,
        %mul3A_414 = arith.mulf %get3A_413, %gather3A : vector<16xf32>
        %swap3A_415 = arith.index_cast %add3A_381 : i32 to index
        %swap3A_416 = arith.constant 64 : index
        %swap3A_417 = tpu.vector_load %arg43[%swap3A_415, %swap3A_416] {strides = array<i32>} : memref<72x128xf32, #tpu.memory_space<vmem>>, vector<16xf32>,
        tpu.vector_store %arg43[%swap3A_415, %swap3A_416], %mul3A_414 {strides = array<i32>} : memref<72x128xf32, #tpu.memory_space<vmem>>, vector<16xf32>,
        %get3A_418 = arith.index_cast %add3A_381 : i32 to index
        %get3A_419 = arith.constant 80 : index
        %get3A_420 = tpu.vector_load %arg43[%get3A_418, %get3A_419] {strides = array<i32>} : memref<72x128xf32, #tpu.memory_space<vmem>>, vector<16xf32>,
        %mul3A_421 = arith.mulf %get3A_420, %gather3A : vector<16xf32>
        %swap3A_422 = arith.index_cast %add3A_381 : i32 to index
        %swap3A_423 = arith.constant 80 : index
        %swap3A_424 = tpu.vector_load %arg43[%swap3A_422, %swap3A_423] {strides = array<i32>} : memref<72x128xf32, #tpu.memory_space<vmem>>, vector<16xf32>,
        tpu.vector_store %arg43[%swap3A_422, %swap3A_423], %mul3A_421 {strides = array<i32>} : memref<72x128xf32, #tpu.memory_space<vmem>>, vector<16xf32>,
        %get3A_425 = arith.index_cast %add3A_381 : i32 to index
        %get3A_426 = arith.constant 96 : index
        %get3A_427 = tpu.vector_load %arg43[%get3A_425, %get3A_426] {strides = array<i32>} : memref<72x128xf32, #tpu.memory_space<vmem>>, vector<16xf32>,
        %mul3A_428 = arith.mulf %get3A_427, %gather3A : vector<16xf32>
        %swap3A_429 = arith.index_cast %add3A_381 : i32 to index
        %swap3A_430 = arith.constant 96 : index
        %swap3A_431 = tpu.vector_load %arg43[%swap3A_429, %swap3A_430] {strides = array<i32>} : memref<72x128xf32, #tpu.memory_space<vmem>>, vector<16xf32>,
        tpu.vector_store %arg43[%swap3A_429, %swap3A_430], %mul3A_428 {strides = array<i32>} : memref<72x128xf32, #tpu.memory_space<vmem>>, vector<16xf32>,
        %get3A_432 = arith.index_cast %add3A_381 : i32 to index
        %get3A_433 = arith.constant 112 : index
        %get3A_434 = tpu.vector_load %arg43[%get3A_432, %get3A_433] {strides = array<i32>} : memref<72x128xf32, #tpu.memory_space<vmem>>, vector<16xf32>,
        %mul3A_435 = arith.mulf %get3A_434, %gather3A : vector<16xf32>
        %swap3A_436 = arith.index_cast %add3A_381 : i32 to index
        %swap3A_437 = arith.constant 112 : index
        %swap3A_438 = tpu.vector_load %arg43[%swap3A_436, %swap3A_437] {strides = array<i32>} : memref<72x128xf32, #tpu.memory_space<vmem>>, vector<16xf32>,
        tpu.vector_store %arg43[%swap3A_436, %swap3A_437], %mul3A_435 {strides = array<i32>} : memref<72x128xf32, #tpu.memory_space<vmem>>, vector<16xf32>,
      }
      %scan3A_361 = arith.constant 72 : i32
      %dma_start3A_362 = arith.constant 0 : i32
      %dma_start3A_363 = arith.constant 0 : i32
      %dma_start3A_364 = tpu.memref_slice %arg7[%dma_start3A_362, %dma_start3A_363] : memref<10000x128xf32, #tpu.memory_space<vmem_shared>> -> memref<10000x128xf32, #tpu.memory_space<vmem_shared>>
      tpu.enqueue_indirect_dma source(%arg43 : memref<72x128xf32, #tpu.memory_space<vmem>>) target(%dma_start3A_364 : memref<10000x128xf32, #tpu.memory_space<vmem_shared>>) offsets(%arg41 : memref<72xi32, #tpu.memory_space<vmem>>) semaphore(%arg47 : memref<!tpu.dma_semaphore, #tpu.memory_space<semaphore_mem>>) {add = true}
      %gt3A_365 = arith.constant 0 : i32
      %gt3A_366 = arith.cmpi sgt, %add3A_329, %gt3A_365 : i32
      %convert_element_type3A_367 = arith.extui %gt3A_366 : i1 to i32
      %cond3A_368 = arith.constant 0 : i32
      %cond3A_369 = arith.cmpi ne, %convert_element_type3A_367, %cond3A_368 : i32
      scf.if %cond3A_369 {
        %dma_wait3A_377 = arith.constant 0 : i32
        %dma_wait3A_378 = arith.constant 0 : i32
        %dma_wait3A_379 = tpu.memref_slice %arg7[%dma_wait3A_377, %dma_wait3A_378] : memref<10000x128xf32, #tpu.memory_space<vmem_shared>> -> memref<10000x128xf32, #tpu.memory_space<vmem_shared>>
        tpu.wait_indirect_dma semaphore(%arg39 : memref<!tpu.dma_semaphore, #tpu.memory_space<semaphore_mem>>) src(%arg35 : memref<72x128xf32, #tpu.memory_space<vmem>>) dst(%dma_wait3A_379 : memref<10000x128xf32, #tpu.memory_space<vmem_shared>>)
      } else {
      }
      %add3A_370 = arith.constant 4 : i32
      %add3A_371 = arith.addi %add3A_329, %add3A_370 : i32
      %lt3A_372 = arith.constant 140 : i32
      %lt3A_373 = arith.cmpi slt, %add3A_371, %lt3A_372 : i32
      %convert_element_type3A_374 = arith.extui %lt3A_373 : i1 to i32
      %cond3A_375 = arith.constant 0 : i32
      %cond3A_376 = arith.cmpi ne, %convert_element_type3A_374, %cond3A_375 : i32
      scf.if %cond3A_376 {
        %add3A_377 = arith.constant 4 : i32
        %add3A_378 = arith.addi %add3A_329, %add3A_377 : i32
        %add3A_379 = arith.addi %mul3A_2, %add3A_378 : i32
        %mul3A_380 = arith.constant 72 : i32
        %mul3A_381 = arith.muli %add3A_379, %mul3A_380 : i32
        %dma_start3A_382 = tpu.memref_slice %arg2[%mul3A_381] : memref<322560xi32, #tpu.memory_space<hbm>> -> memref<72xi32, #tpu.memory_space<hbm>>
        %dma_start3A_383 = tpu.memref_slice %arg2[%mul3A_381] : memref<322560xi32, #tpu.memory_space<hbm>> -> memref<72xi32, #tpu.memory_space<hbm>>
        tpu.enqueue_dma source(%dma_start3A_383 : memref<72xi32, #tpu.memory_space<hbm>>) target(%arg33 : memref<72xi32, #tpu.memory_space<vmem>>) target_semaphore(%arg37 : memref<!tpu.dma_semaphore, #tpu.memory_space<semaphore_mem>>)
        %add3A_384 = arith.addi %mul3A_2, %add3A_378 : i32
        %mul3A_385 = arith.constant 72 : i32
        %mul3A_386 = arith.muli %add3A_384, %mul3A_385 : i32
        %dma_start3A_387 = tpu.memref_slice %arg4[%mul3A_386] : memref<322560xf32, #tpu.memory_space<hbm>> -> memref<72xf32, #tpu.memory_space<hbm>>
        %dma_start3A_388 = tpu.memref_slice %arg4[%mul3A_386] : memref<322560xf32, #tpu.memory_space<hbm>> -> memref<72xf32, #tpu.memory_space<hbm>>
        tpu.enqueue_dma source(%dma_start3A_388 : memref<72xf32, #tpu.memory_space<hbm>>) target(%arg34 : memref<72xf32, #tpu.memory_space<vmem>>) target_semaphore(%arg37 : memref<!tpu.dma_semaphore, #tpu.memory_space<semaphore_mem>>)
      } else {
      }
    }
    %scan3A_119 = arith.constant 28 : i32
    %dma_wait3A_120 = arith.constant 0 : i32
    %dma_wait3A_121 = arith.constant 0 : i32
    %dma_wait3A_122 = tpu.memref_slice %arg7[%dma_wait3A_120, %dma_wait3A_121] : memref<10000x128xf32, #tpu.memory_space<vmem_shared>> -> memref<10000x128xf32, #tpu.memory_space<vmem_shared>>
    tpu.wait_indirect_dma semaphore(%arg47 : memref<!tpu.dma_semaphore, #tpu.memory_space<semaphore_mem>>) src(%arg43 : memref<72x128xf32, #tpu.memory_space<vmem>>) dst(%dma_wait3A_122 : memref<10000x128xf32, #tpu.memory_space<vmem_shared>>)
    %barrier3A_123 = arith.constant 0 : index
    tpu.barrier barrier_id(%barrier3A_123)
    "tpu.region"() ({
      %run_scoped3A = tpu.sem_alloc : memref<!tpu.dma_semaphore, #tpu.memory_space<semaphore_mem>>
      %dma_start3A_129 = arith.constant 0 : i32
      %dma_start3A_130 = tpu.memref_slice %arg6[%arg0, %mul3A_105, %dma_start3A_129] : memref<2x10000x128xf32, #tpu.memory_space<hbm>> -> memref<1x624x128xf32, #tpu.memory_space<hbm>>
      %dma_start3A_131 = tpu.memref_squeeze %dma_start3A_130 : memref<1x624x128xf32, #tpu.memory_space<hbm>> -> memref<624x128xf32, #tpu.memory_space<hbm>>
      %dma_start3A_132 = arith.constant 0 : i32
      %dma_start3A_133 = tpu.memref_slice %arg7[%mul3A_105, %dma_start3A_132] : memref<10000x128xf32, #tpu.memory_space<vmem_shared>> -> memref<624x128xf32, #tpu.memory_space<vmem_shared>>
      tpu.enqueue_dma source(%dma_start3A_133 : memref<624x128xf32, #tpu.memory_space<vmem_shared>>) target(%dma_start3A_131 : memref<624x128xf32, #tpu.memory_space<hbm>>) target_semaphore(%run_scoped3A : memref<!tpu.dma_semaphore, #tpu.memory_space<semaphore_mem>>)
      %dma_wait3A_134 = arith.constant 0 : i32
      %dma_wait3A_135 = tpu.memref_slice %arg6[%arg0, %mul3A_105, %dma_wait3A_134] : memref<2x10000x128xf32, #tpu.memory_space<hbm>> -> memref<1x624x128xf32, #tpu.memory_space<hbm>>
      %dma_wait3A_136 = tpu.memref_squeeze %dma_wait3A_135 : memref<1x624x128xf32, #tpu.memory_space<hbm>> -> memref<624x128xf32, #tpu.memory_space<hbm>>
      %dma_wait3A_137 = arith.constant 0 : i32
      %dma_wait3A_138 = tpu.memref_slice %arg7[%mul3A_105, %dma_wait3A_137] : memref<10000x128xf32, #tpu.memory_space<vmem_shared>> -> memref<624x128xf32, #tpu.memory_space<vmem_shared>>
      tpu.wait_dma2 semaphore(%run_scoped3A : memref<!tpu.dma_semaphore, #tpu.memory_space<semaphore_mem>>) src(%dma_wait3A_138 : memref<624x128xf32, #tpu.memory_space<vmem_shared>>) dst(%dma_wait3A_136 : memref<624x128xf32, #tpu.memory_space<hbm>>)
      tpu.yield
    }) : () -> ()
    %eq3A_124 = arith.constant 15 : i32
    %eq3A_125 = arith.cmpi eq, %arg1, %eq3A_124 : i32
    %convert_element_type3A_126 = arith.extui %eq3A_125 : i1 to i32
    %cond3A_127 = arith.constant 0 : i32
    %cond3A_128 = arith.cmpi ne, %convert_element_type3A_126, %cond3A_127 : i32
    scf.if %cond3A_128 {
      "tpu.region"() ({
        %run_scoped3A = tpu.sem_alloc : memref<!tpu.dma_semaphore, #tpu.memory_space<semaphore_mem>>
        %dma_start3A_129 = arith.constant 9984 : i32
        %dma_start3A_130 = arith.constant 0 : i32
        %dma_start3A_131 = tpu.memref_slice %arg6[%arg0, %dma_start3A_129, %dma_start3A_130] : memref<2x10000x128xf32, #tpu.memory_space<hbm>> -> memref<1x16x128xf32, #tpu.memory_space<hbm>>
        %dma_start3A_132 = tpu.memref_squeeze %dma_start3A_131 : memref<1x16x128xf32, #tpu.memory_space<hbm>> -> memref<16x128xf32, #tpu.memory_space<hbm>>
        %dma_start3A_133 = arith.constant 9984 : i32
        %dma_start3A_134 = arith.constant 0 : i32
        %dma_start3A_135 = tpu.memref_slice %arg7[%dma_start3A_133, %dma_start3A_134] : memref<10000x128xf32, #tpu.memory_space<vmem_shared>> -> memref<16x128xf32, #tpu.memory_space<vmem_shared>>
        tpu.enqueue_dma source(%dma_start3A_135 : memref<16x128xf32, #tpu.memory_space<vmem_shared>>) target(%dma_start3A_132 : memref<16x128xf32, #tpu.memory_space<hbm>>) target_semaphore(%run_scoped3A : memref<!tpu.dma_semaphore, #tpu.memory_space<semaphore_mem>>)
        %dma_wait3A_136 = arith.constant 9984 : i32
        %dma_wait3A_137 = arith.constant 0 : i32
        %dma_wait3A_138 = tpu.memref_slice %arg6[%arg0, %dma_wait3A_136, %dma_wait3A_137] : memref<2x10000x128xf32, #tpu.memory_space<hbm>> -> memref<1x16x128xf32, #tpu.memory_space<hbm>>
        %dma_wait3A_139 = tpu.memref_squeeze %dma_wait3A_138 : memref<1x16x128xf32, #tpu.memory_space<hbm>> -> memref<16x128xf32, #tpu.memory_space<hbm>>
        %dma_wait3A_140 = arith.constant 9984 : i32
        %dma_wait3A_141 = arith.constant 0 : i32
        %dma_wait3A_142 = tpu.memref_slice %arg7[%dma_wait3A_140, %dma_wait3A_141] : memref<10000x128xf32, #tpu.memory_space<vmem_shared>> -> memref<16x128xf32, #tpu.memory_space<vmem_shared>>
        tpu.wait_dma2 semaphore(%run_scoped3A : memref<!tpu.dma_semaphore, #tpu.memory_space<semaphore_mem>>) src(%dma_wait3A_142 : memref<16x128xf32, #tpu.memory_space<vmem_shared>>) dst(%dma_wait3A_139 : memref<16x128xf32, #tpu.memory_space<hbm>>)
        tpu.yield
      }) : () -> ()
    } else {
    }
    return
  }
}

module attributes {stable_mosaic.version = 14 : i64} {
  func.func @_tc_add_body(%arg0: i32, %arg1: memref<2x1000x128xf32, #tpu.memory_space<vmem>>, %arg2: memref<1000x128xf32, #tpu.memory_space<vmem>>) attributes {dimension_semantics = [#tpu.dimension_semantics<arbitrary>], iteration_bounds = array<i64: 10>, scalar_prefetch = 0 : i64, scratch_operands = 0 : i64, tpu.core_type = #tpu.core_type<tc>, window_params = [{transform_indices = @transform_0, window_bounds = array<i64: 2, 1000, 128>}, {transform_indices = @transform_1, window_bounds = array<i64: 1000, 128>}]} {
    %get3A = arith.constant 0 : index
    %get3A_0 = arith.constant 0 : index
    %get3A_1 = arith.constant 0 : index
    %get3A_2 = vector.load %arg1[%get3A, %get3A_0, %get3A_1] : memref<2x1000x128xf32, #tpu.memory_space<vmem>>, vector<1x1000x128xf32>
    %get3A_3 = vector.shape_cast %get3A_2 : vector<1x1000x128xf32> to vector<1000x128xf32>
    %get3A_4 = arith.constant 1 : index
    %get3A_5 = arith.constant 0 : index
    %get3A_6 = arith.constant 0 : index
    %get3A_7 = vector.load %arg1[%get3A_4, %get3A_5, %get3A_6] : memref<2x1000x128xf32, #tpu.memory_space<vmem>>, vector<1x1000x128xf32>
    %get3A_8 = vector.shape_cast %get3A_7 : vector<1x1000x128xf32> to vector<1000x128xf32>
    %add3A = arith.addf %get3A_3, %get3A_8 : vector<1000x128xf32>
    %swap3A = arith.constant 0 : index
    %swap3A_9 = arith.constant 0 : index
    %swap3A_10 = vector.load %arg2[%swap3A, %swap3A_9] : memref<1000x128xf32, #tpu.memory_space<vmem>>, vector<1000x128xf32>
    tpu.vector_store %arg2[%swap3A, %swap3A_9], %add3A {strides = array<i32>} : memref<1000x128xf32, #tpu.memory_space<vmem>>, vector<1000x128xf32>,
    return
  }
  func.func @transform_0(%arg0: i32) -> (i32, i32, i32) {
    %c0_i32 = arith.constant 0 : i32
    %c0_i32_0 = arith.constant 0 : i32
    %c0_i32_1 = arith.constant 0 : i32
    return %c0_i32, %arg0, %c0_i32_0 : i32, i32, i32
  }
  func.func @transform_1(%arg0: i32) -> (i32, i32) {
    %c0_i32 = arith.constant 0 : i32
    %c0_i32_0 = arith.constant 0 : i32
    return %arg0, %c0_i32 : i32, i32
  }
}

</mosaic_0001>

<sc_bundles>
// kernel: kernel.4.cloned.1.call-start
scs
__scs_entry_jumppad:
0x0: {  	(pc) =	sbr.rel $0x88, $3  }
0x1: {  	(tag) =	ssettag $0x0;
	lr =	simm.s32 $0x1  }
0x2: {  	[smem:$0x3F9E] =	sst lr;
	_ =	strace $0xD0000000  }
0x3: {  	_ = 	snop  }
0x4: {  	_ = 	snop  }
0x5: {  	_ = 	snop  }
0x6: {  	_ = 	snop  }
0x7: {  	_ = 	snop  }
__scs_overlays_trampoline_lowered:
0x8: {  	[smem:$0x3FAD] =	sst s0  }
0x9: {  	[smem:$0x3FAE] =	sst s1  }
0xa: {  	[smem:$0x3FAF] =	sst s2  }
0xb: {  	[smem:$0x3FB0] =	sst s3  }
0xc: {  	[smem:$0x3FB1] =	sst s4  }
0xd: {  	[smem:$0x3FB2] =	sst s5  }
0xe: {  	[smem:$0x3FB3] =	sst s6  }
0xf: {  	[smem:$0x3FB4] =	sst s7  }
0x10: {  	[smem:$0x3FB5] =	sst s8  }
0x11: {  	[smem:$0x3FB6] =	sst s9;
	s0 =	simm.s32 @!p0 $0x0  }
0x12: {  	s1 =	sld [smem:$0x3F9C];
	s0 =	simm.s32 @p0 $0x1  }
0x13: {  	[smem:$0x3FB7] =	sst s0;
	s0 =	simm.s32 @!p1 $0x0  }
0x14: {  	s2 =	sld [smem:$0x3F9B];
	s0 =	simm.s32 @p1 $0x1  }
0x15: {  	[smem:$0x3FB8] =	sst s0;
	s0 =	simm.s32 @!p2 $0x0  }
0x16: {  	s3 =	sld [smem:$0x3FDB];
	s0 =	simm.s32 @p2 $0x1  }
0x17: {  	s4 =	simm.s32 $0x1BF5;
	[smem:$0x3FBA] =	sst s0  }
0x18: {  	s0 =	sld [smem:$0x3F9D];
	_ =	swait.ge [sflag:s4], $0x0  }
0x19: {  	s7 =	sld [smem:$0x3F9E]  }
0x1a: {  	s8 =	sadd.s32 $0xFFFFE003, lr  }
0x1b: {  	s9 =	sadd.s32 $0xFFFFFEF7, lr;
	s5 =	simm.s32 $0xFFFFFFFF;
	p2 =	slt.u32 s8, $0xFFFFF086  }
0x1c: {  	p1 =	slt.u32 s9, $0xF7A;
	s5 =	simm.s32 @!p2 $0x0  }
0x1d: {  	s5 =	simm.s32 @p1 $0x1;
	p0 =	seq.s32 s7, s2  }
0x1e: {  	s7 =	smul.u32 @!p0 $0xF7A, s2;
	p2 =	seq.s32 @!p0 s5, $0x0  }
0x1f: {  	s9 =	smul.u32 $0xF7A, s1;
	s8 =	simm.s32 @!p0 $0x1BF5;
	p2 =	por !p2, p0  }
0x20: {  	[sflag:s8] =	ssyncset.s32 @!p0 $0xFFFFF086;
	s6 =	sadd.s32 @!p0 s3, s7;
	s7 =	simm.s32 @!p0 $0x108  }
0x21: {  	s3 =	sadd.s32 s3, s9;
	s6 =	sadd.s32 @!p0 $0x88, s6;
	s7 =	simm.s32 @p2 $0x1082  }
0x22: {  	[simem:s7], [sflag:s8] =	dma.local @!p0 [hbm:s6], $0xF7A  }
0x23: {  	s9 =	sor.u32 $0xD0000000, s2;
	s6 =	simm.s32 $0x108;
	_ =	swait.ge @!p0 [sflag:s8], $0x0  }
0x24: {  	s3 =	sadd.s32 $0x88, s3;
	s6 =	simm.s32 @!p1 $0x1082;
	[sflag:s4] =	ssyncset.s32 $0xFFFFF086  }
0x25: {  	[simem:s6], [sflag:s4] =	dma.local [hbm:s3], $0xF7A  }
0x26: {  	[smem:$0x3F9E] =	sst s1;
	(tag) =	ssettag s2;
	_ =	strace s9  }
0x27: {  	s1 =	sld [smem:$0x3FAE]  }
0x28: {  	s2 =	sld [smem:$0x3FAF]  }
0x29: {  	s4 =	sld [smem:$0x3FB1]  }
0x2a: {  	p0 =	seq.s32 s5, $0x0;
	s5 =	sld [smem:$0x3FB2]  }
0x2b: {  	s6 =	sld [smem:$0x3FB3]  }
0x2c: {  	s7 =	sld [smem:$0x3FB4]  }
0x2d: {  	s3 =	simm.s32 $0x108;
	s8 =	sld [smem:$0x3FB5]  }
0x2e: {  	s3 =	simm.s32 @!p0 $0x1082;
	s9 =	sld [smem:$0x3FB6]  }
0x2f: {  	lr =	sadd.s32 s0, s3;
	s0 =	sld [smem:$0x3FAD]  }
0x30: {  	s3 =	sld [smem:$0x3FB0]  }
0x31: {  	[smem:$0x3FB9] =	sst s10  }
0x32: {  	s10 =	sld [smem:$0x3FB7];
	_ =	sdelay $0x3  }
0x33: {  	p0 =	seq.s32 s10, $0x1;
	s10 =	sld [smem:$0x3FB9];
	_ =	sdelay $0x3  }
0x34: {  	[smem:$0x3FB9] =	sst s10  }
0x35: {  	s10 =	sld [smem:$0x3FB8];
	_ =	sdelay $0x3  }
0x36: {  	p1 =	seq.s32 s10, $0x1;
	s10 =	sld [smem:$0x3FB9];
	_ =	sdelay $0x3  }
0x37: {  	[smem:$0x3FB9] =	sst s10  }
0x38: {  	s10 =	sld [smem:$0x3FBA]  }
0x39: {  	_ = 	snop;
	(pc) =	sbr.ind lr, $3  }
0x3a: {  	_ = 	snop  }
0x3b: {  	_ = 	snop  }
0x3c: {  	p2 =	seq.s32 s10, $0x1;
	s10 =	sld [smem:$0x3FB9]  }
0x3d: {  	_ =	shalt  }
0x3e: {  	_ =	shalt  }
0x3f: {  	_ =	shalt  }
0x40: {  	_ =	shalt  }
0x41: {  	_ =	shalt  }
0x42: {  	_ =	shalt  }
0x43: {  	_ =	shalt  }
0x44: {  	_ =	shalt  }
0x45: {  	_ =	shalt  }
0x46: {  	_ =	shalt  }
0x47: {  	_ =	shalt  }
0x48: {  	_ =	shalt  }
0x49: {  	_ =	shalt  }
0x4a: {  	_ =	shalt  }
0x4b: {  	_ =	shalt  }
0x4c: {  	_ =	shalt  }
0x4d: {  	_ =	shalt  }
0x4e: {  	_ =	shalt  }
0x4f: {  	_ =	shalt  }
0x50: {  	_ =	shalt  }
0x51: {  	_ =	shalt  }
0x52: {  	_ =	shalt  }
0x53: {  	_ =	shalt  }
0x54: {  	_ =	shalt  }
0x55: {  	_ =	shalt  }
0x56: {  	_ =	shalt  }
0x57: {  	_ =	shalt  }
0x58: {  	_ =	shalt  }
0x59: {  	_ =	shalt  }
0x5a: {  	_ =	shalt  }
0x5b: {  	_ =	shalt  }
0x5c: {  	_ =	shalt  }
0x5d: {  	_ =	shalt  }
0x5e: {  	_ =	shalt  }
0x5f: {  	_ =	shalt  }
0x60: {  	_ =	shalt  }
0x61: {  	_ =	shalt  }
0x62: {  	_ =	shalt  }
0x63: {  	_ =	shalt  }
0x64: {  	_ =	shalt  }
0x65: {  	_ =	shalt  }
0x66: {  	_ =	shalt  }
0x67: {  	_ =	shalt  }
0x68: {  	_ =	shalt  }
0x69: {  	_ =	shalt  }
0x6a: {  	_ =	shalt  }
0x6b: {  	_ =	shalt  }
0x6c: {  	_ =	shalt  }
0x6d: {  	_ =	shalt  }
0x6e: {  	_ =	shalt  }
0x6f: {  	_ =	shalt  }
0x70: {  	_ =	shalt  }
0x71: {  	_ =	shalt  }
0x72: {  	_ =	shalt  }
0x73: {  	_ =	shalt  }
0x74: {  	_ =	shalt  }
0x75: {  	_ =	shalt  }
0x76: {  	_ =	shalt  }
0x77: {  	_ =	shalt  }
0x78: {  	_ =	shalt  }
0x79: {  	_ =	shalt  }
0x7a: {  	_ =	shalt  }
0x7b: {  	_ =	shalt  }
0x7c: {  	_ =	shalt  }
0x7d: {  	_ =	shalt  }
0x7e: {  	_ =	shalt  }
0x7f: {  	_ =	shalt  }
0x80: {  	_ =	shalt  }
0x81: {  	_ =	shalt  }
0x82: {  	_ =	shalt  }
0x83: {  	_ =	shalt  }
0x84: {  	_ =	shalt  }
0x85: {  	_ =	shalt  }
0x86: {  	_ =	shalt  }
0x87: {  	_ =	shalt  }
.Lfunc_end0:
.L_simem_size_0:
called_computation_lowered:
.L_overlay_start_0:
0x88: {  	s2 =	sld [smem:$0x3FD9]  }
0x89: {  	s3 =	sld [smem:$0x3FFE];
	_ =	sdelay $0x1  }
0x8a: {  	s1 =	srdreg.scid  }
0x8b: {  	s0 =	sand.u32 $0x1, s1  }
0x8c: {  	s17 =	sshll.u32 s0, $0xA;
	s2 =	sadd.s32 s3, s2  }
0x8d: {  	s2 =	sadd.s32 s2, s17  }
0x8e: {  	[smem:$0x3FC5] =	sst s2  }
0x8f: {  	_ = 	snop  }
0x90: {  	s2 =	sld [smem:$0x3FC9]  }
0x91: {  	s18 =	sld [smem:$0x3FD0];
	(tm) =	ssettm $0x1  }
0x92: {  	s4 =	sld [smem:$0x3FFB];
	_ =	sdelay $0x3  }
0x93: {  	_ =	strace s4  }
0x94: {  	s4 =	sld [smem:$0x3FFC];
	_ =	sdelay $0x3  }
0x95: {  	_ =	strace s4  }
0x96: {  	s4 =	sld [smem:$0x3FFD];
	_ =	sdelay $0x3  }
0x97: {  	_ =	strace s4  }
0x98: {  	_ =	strace $0x8FFFFFFF  }
0x99: {  	s19 =	sld [smem:$0x3FDB];
	_ =	sdelay $0x1  }
0x9a: {  	s5 =	simm.s32 $_scs_section_size  }
0x9b: {  	s6 =	simm.s32 $_size__tile_overlayer_lowered;
	s7 =	simm.s32 $_tile_overlayer_lowered  }
0x9c: {  	s22 =	simm.s32 $0x1BFF;
	s21 =	sshll.u32 s7, $0x1;
	s4 =	sadd.s32 s5, s19  }
0x9d: {  	s8 =	simm.s32 $0x0;
	s20 =	sshll.u32 s6, $0x1;
	s6 =	sadd.s32 s21, s4  }
0x9e: {  	[timem:s8], [sflag:s22] =	dma.local [hbm:s6], s20  }
0x9f: {  	_ =	swait.ge [sflag:s22], s20  }
0xa0: {  	s5 =	ssub.s32 $0x0, s20;
	[sflag:s22] =	ssyncset.done $0x0  }
0xa1: {  	[sflag:s22] =	ssyncadd.s32 s5;
	_ =	sdelay $0x1  }
0xa2: {  	s23 =	simm.s32 $0x1B8B  }
0xa3: {  	_ =	swait.ge [sflag:s23], $0x1  }
0xa4: {  	[sflag:s23] =	ssyncset.done $0x0  }
0xa5: {  	s25 =	simm.s32 $0x1B8E;
	s24 =	sld [smem:$0x3FFE];
	[sflag:s23] =	ssyncadd.s32 $0xFFFFFFFF  }
0xa6: {  	s26 =	simm.s32 $execute0_lowered;
	[smem:$0x3FD2] =	sst s25  }
0xa7: {  	s6 =	sshll.u32 s26, $0x1;
	_ =	strace $0x80000046;
	[dreg:$0x1] =	wrdreg $0xFFFFFFFF  }
0xa8: {  	s28 =	simm.s32 $_size_execute0_lowered;
	s4 =	sadd.s32 s4, s6;
	[dreg:$0x0] =	wrdreg $0x0  }
0xa9: {  	s6 =	sshll.u32 s28, $0x1;
	[dreg:$0x2] =	wrdreg s4  }
0xaa: {  	[dreg:$0x3] =	wrdreg s6  }
0xab: {  	[dreg:$0x4] =	wrdreg $0xC0  }
0xac: {  	_ =	task [dreg:s8], $0x5FFFF  }
0xad: {  	[dreg:$0x1] =	wrdreg $0xFFFFFFFF  }
0xae: {  	[dreg:$0x0] =	wrdreg $0x60  }
0xaf: {  	[dreg:$0x2] =	wrdreg s24  }
0xb0: {  	[dreg:$0x3] =	wrdreg s18  }
0xb1: {  	[dreg:$0x4] =	wrdreg s2  }
0xb2: {  	[dreg:$0x5] =	wrdreg $0x0  }
0xb3: {  	[dreg:$0x6] =	wrdreg $0x9  }
0xb4: {  	_ =	task.clear_ibuf [dreg:s8], $0x7FFFF;
	_ =	strace $0x90000046  }
0xb5: {  	s29 =	simm.s32 $0x9;
	_ =	strace $0x80000048  }
0xb6: {  	_ =	swait.ge [sflag:s29], $0x1  }
0xb7: {  	[sflag:s29] =	ssyncadd.s32 $0xFFFFFFFF  }
0xb8: {  	_ =	strace $0x90000048  }
0xb9: {  	_ =	sfence  }
0xba: {  	s30 =	sld [smem:$0x0];
	_ =	sdelay $0x2  }
0xbb: {  	s31 =	sshll.u32 s1, $0xD;
	s1 =	sshrl.u32 s1, $0x2  }
0xbc: {  	s3 =	sand.u32 $0x4000, s31;
	s1 =	sadd.s32 s1, s30  }
0xbd: {  	s0 =	sor.u32 s3, s0;
	s1 =	sshll.u32 s1, $0x11  }
0xbe: {  	s0 =	sor.u32 s1, s0  }
0xbf: {  	s0 =	sadd.s32 $0x8F2B, s0  }
0xc0: {  	[sflag:s0] =	ssyncadd.remote.s32 $0x1  }
0xc1: {  	_ =	sfence.sel $0xFFFF  }
0xc2: {  	[dreg:$0x0] =	wrdreg $0xFFFFFFFF;
	(pc) =	sbr.abs _section_cstart, $3  }
0xc3: {  	[dreg:$0x1] =	wrdreg $0xFFFFFFFF  }
0xc4: {  	_ =	task.clear_ibuf [dreg:s8], $0x2FFFF;
	_ =	strace $0x9FFFFFFF  }
0xc5: {  	(tm) =	ssettm $0x7FFFFFFF  }
tec
execute0_lowered:
.L_overlay_start_1:
0x0: {  	(tag) =	ssettag $0x1  }
0x1: {  	s0 =	rddreg [dreg:$0x0]  }
0x2: {  	s1 =	rddreg [dreg:$0x1]  }
0x3: {  	s2 =	rddreg [dreg:$0x2]  }
0x4: {  	s3 =	srdreg.scid;
	s13 =	stileid.u32  }
0x5: {  	s4 =	rddreg [dreg:$0x3];
	s3 =	sand.u32 $0x1, s3;
	s6 =	sshll.u32 s13, $0x1  }
0x6: {  	s5 =	simm.s32 $0x0;
	s29 =	simm.s32 $0xF;
	s8 =	sor.u32 s3, s6  }
0x7: {  	[smem:$0x7FF] =	sst s5;
	s7 =	sadd.s32 $0x200, s0;
	s10 =	smul.u32 $0x4EC, s8  }
0x8: {  	_ =	strace $0x80000047;
	s6 =	sadd.s32 $0xA000, s0;
	s9 =	ssub.s32 $0x2, s3  }
0x9: {  	s11 =	sshrl.u32 s9, $0x1;
	s12 =	smul.u32 $0x2760, s8;
	s16 =	sadd.s32 s1, s10  }
0xa: {  	s8 =	smul.u32 $0x8C, s8;
	s17 =	sadd.s32 s6, s10;
	[dreg:$0x5] =	wrdreg s16  }
0xb: {  	s9 =	ssub.s32 s9, s11;
	s10 =	sadd.s32 s7, s10;
	[dreg:$0x6] =	wrdreg s17  }
0xc: {  	s18 =	sadd.s32 $0x48, s12;
	s20 =	sshrl.u32 s12, $0x3;
	[dreg:$0x7] =	wrdreg s10  }
0xd: {  	s19 =	sshrl.u32 s18, $0x3;
	s11 =	sadd.s32 $0x12, s20;
	s20 =	sadd.s32 $0x4, s8  }
0xe: {  	s28 =	simm.s32 $0xC;
	s14 =	sadd.s32 s1, s19;
	[dreg:$0x17] =	wrdreg s20  }
0xf: {  	s23 =	smul.u32 $0x4E000, s13;
	s21 =	sadd.s32 s6, s19;
	[dreg:$0x8] =	wrdreg s14  }
0x10: {  	s26 =	smul.u32 $0x13800, s13;
	s10 =	sadd.s32 s7, s19;
	[dreg:$0x9] =	wrdreg s21  }
0x11: {  	p0 =	sne.s32 s13, $0xF;
	s22 =	sadd.s32 s1, s11;
	[dreg:$0xa] =	wrdreg s10  }
0x12: {  	s12 =	sadd.s32 $0xD8, s12;
	s24 =	sadd.s32 s6, s11;
	[dreg:$0xb] =	wrdreg s22  }
0x13: {  	s25 =	sshrl.u32 s12, $0x3;
	s11 =	sadd.s32 s7, s11;
	[dreg:$0xc] =	wrdreg s24  }
0x14: {  	s0 =	sadd.s32 $0x13E00, s0;
	s30 =	sadd.s32 s1, s25;
	[dreg:$0xd] =	wrdreg s11  }
0x15: {  	s3 =	smul.u32 $0x138800, s3;
	s31 =	sadd.s32 s6, s25;
	[dreg:$0xe] =	wrdreg s30  }
0x16: {  	s19 =	smax.u32 s9, $0x1;
	[dreg:$0xf] =	wrdreg s31;
	s11 =	sadd.s32 s7, s25  }
0x17: {  	s10 =	sshrl.u32 s23, $0x2;
	s14 =	sadd.s32 s26, s3;
	[dreg:$0x15] =	wrdreg s19  }
0x18: {  	s3 =	sshrl.u32 s3, $0x3;
	s21 =	sadd.s32 $0x138000, s4;
	[dreg:$0x10] =	wrdreg s11  }
0x19: {  	s15 =	sadd.s32 s10, s4;
	s16 =	sshrl.u32 s14, $0x3;
	[dreg:$0x16] =	wrdreg s21  }
0x1a: {  	s3 =	sadd.s32 s0, s3;
	s0 =	sadd.s32 s0, s16;
	[dreg:$0x11] =	wrdreg s15  }
0x1b: {  	s13 =	simm.s32 $0x13980;
	s17 =	sadd.s32 $0x12000, s15;
	[dreg:$0x12] =	wrdreg s0  }
0x1c: {  	s12 =	simm.s32 $0x6;
	s18 =	sadd.s32 $0x27000, s3;
	[dreg:$0x13] =	wrdreg s17  }
0x1d: {  	s20 =	simm.s32 $0xA;
	s22 =	sadd.s32 $0x2400, s15;
	[dreg:$0x14] =	wrdreg s18  }
0x1e: {  	s9 =	simm.s32 $0x12;
	s23 =	sadd.s32 $0x4800, s15;
	[dreg:$0x18] =	wrdreg s22  }
0x1f: {  	s19 =	simm.s32 $0x18480;
	s24 =	sadd.s32 $0x6C00, s15;
	[dreg:$0x19] =	wrdreg s23  }
0x20: {  	s11 =	simm.s32 $0x48;
	s25 =	sadd.s32 $0x9000, s15;
	[dreg:$0x1a] =	wrdreg s24  }
0x21: {  	s14 =	simm.s32 $0x2;
	s26 =	sadd.s32 $0xB400, s15;
	[dreg:$0x1b] =	wrdreg s25  }
.Ltmp0:
0x22: {  	s30 =	sadd.s32 $0xD800, s15;
	[dreg:$0x1c] =	wrdreg s26;
	(pc) =	sbr.rel .LBB2_1-.Ltmp0, $4  }
0x23: {  	s10 =	simm.s32 $0x0;
	s31 =	sadd.s32 $0xFC00, s15;
	[dreg:$0x1d] =	wrdreg s30  }
0x24: {  	s16 =	simm.s32 $0x15F00;
	[dreg:$0x1e] =	wrdreg s31;
	s23 =	simm.s32 $0x1AA00  }
0x25: {  	s26 =	simm.s32 $0x1CF80;
	s18 =	simm.s32 $0xB;
	s25 =	simm.s32 $0x8  }
0x26: {  	v0 =	vimm.f32 $0.0e+00;
	s17 =	simm.s32 $0xE;
	s22 =	simm.s32 $0x13;
	s24 =	simm.s32 $0x10  }
.LBB2_16:
0x27: {  	s0 =	simm.s32 $0x14  }
0x28: {  	_ =	swait.ge [sflag:s0], $0x2400  }
0x29: {  	[sflag:s0] =	ssyncset.done $0x0  }
0x2a: {  	[sflag:s0] =	ssyncadd.s32 $0xFFFFDC00  }
0x2b: {  	s15 =	stileid.u32;
	[bflag:$0x0] =	sbarrier.arrive $0xFFFF  }
0x2c: {  	s21 =	simm.s32 $0x15;
	s0 =	sshll.u32 s15, $0x6;
	s15 =	rddreg [dreg:$0x11]  }
0x2d: {  	s0 =	sor.u32 $0x1C15, s0;
	s10 =	rddreg [dreg:$0x12];
	s3 =	sshrl.u32 s15, $0x3  }
0x2e: {  	[hbm:s10], [sflag:s0] =	dma.local [spmem:s3], $0x2700  }
0x2f: {  	_ =	swait.ge [sflag:s21], $0x2700  }
0x30: {  	[sflag:s21] =	ssyncset.done $0x0  }
0x31: {  	[sflag:s21] =	ssyncadd.s32 $0xFFFFD900;
	s21 =	rddreg [dreg:$0x16]  }
0x32: {  	s10 =	rddreg [dreg:$0x14];
	s3 =	sshrl.u32 @!p0 s21, $0x3  }
0x33: {  	[hbm:s10], [sflag:s0] =	dma.local @!p0 [spmem:s3], $0x100  }
0x34: {  	s0 =	simm.s32 @!p0 $0x15  }
0x35: {  	_ =	swait.ge @!p0 [sflag:s0], $0x100  }
0x36: {  	s30 =	rddreg [dreg:$0x1f]  }
0x37: {  	s31 =	rddreg [dreg:$0x15];
	s10 =	sadd.s32 $0x1, s30  }
0x38: {  	p1 =	sne.s32 s10, s31  }
.Ltmp1:
0x39: {  	_ = 	snop;
	(pc) =	sbr.rel @!p1 .LBB2_17-.Ltmp1, $3  }
0x3a: {  	_ =	sdelay $0x1  }
0x3b: {  	[sflag:s0] =	ssyncset.done @!p0 $0x0  }
0x3c: {  	[sflag:s0] =	ssyncadd.s32 @!p0 $0xFFFFFF00  }
.LBB2_1:
0x3d: {  	[dreg:$0x1f] =	wrdreg s10  }
0x3e: {  	s0 =	rddreg [dreg:$0x5];
	s3 =	simm.s32 $0x13880  }
0x3f: {  	[tilespmem:s3], [sflag:$0x1] =	stream.linear.gather [hbm4b:s0+s5], $0x48, $0x38;
	[tilespmem:$0x1F400] =	vst v63  }
0x40: {  	s30 =	rddreg [dreg:$0x6];
	s31 =	simm.s32 $0x13900  }
0x41: {  	[tilespmem:s31], [sflag:$0x2] =	stream.linear.gather [hbm4b:s30+s5], $0x48, $0x38;
	[tilespmem:$0x1F400] =	vst v63  }
0x42: {  	s10 =	rddreg [dreg:$0x7]  }
0x43: {  	[tilespmem:s13], [sflag:$0x2] =	stream.linear.gather [hbm4b:s10+s5], $0x48, $0x38;
	[tilespmem:$0x1F400] =	vst v63  }
0x44: {  	s30 =	rddreg [dreg:$0x8];
	s10 =	simm.s32 $0x15E00  }
0x45: {  	[tilespmem:s10], [sflag:$0x5] =	stream.linear.gather [hbm4b:s30+s5], $0x48, $0x38;
	[tilespmem:$0x1F400] =	vst v63  }
0x46: {  	s31 =	rddreg [dreg:$0x9];
	s30 =	simm.s32 $0x15E80  }
0x47: {  	[tilespmem:s30], [sflag:$0x6] =	stream.linear.gather [hbm4b:s31+s5], $0x48, $0x38;
	[tilespmem:$0x1F400] =	vst v63  }
0x48: {  	s30 =	rddreg [dreg:$0xa]  }
0x49: {  	[tilespmem:s16], [sflag:$0x6] =	stream.linear.gather [hbm4b:s30+s5], $0x48, $0x38;
	[tilespmem:$0x1F400] =	vst v63  }
0x4a: {  	s31 =	rddreg [dreg:$0xb];
	s30 =	simm.s32 $0x18380  }
0x4b: {  	[tilespmem:s30], [sflag:$0x9] =	stream.linear.gather [hbm4b:s31+s5], $0x48, $0x38;
	[tilespmem:$0x1F400] =	vst v63  }
0x4c: {  	s0 =	rddreg [dreg:$0xc];
	s31 =	simm.s32 $0x18400  }
0x4d: {  	[tilespmem:s31], [sflag:$0xA] =	stream.linear.gather [hbm4b:s0+s5], $0x48, $0x38;
	[tilespmem:$0x1F400] =	vst v63  }
0x4e: {  	s31 =	rddreg [dreg:$0xd]  }
0x4f: {  	[tilespmem:s19], [sflag:$0xA] =	stream.linear.gather [hbm4b:s31+s5], $0x48, $0x38;
	[tilespmem:$0x1F400] =	vst v63  }
0x50: {  	s0 =	rddreg [dreg:$0xe];
	s31 =	simm.s32 $0x1A900  }
0x51: {  	[tilespmem:s31], [sflag:$0xD] =	stream.linear.gather [hbm4b:s0+s5], $0x48, $0x38;
	[tilespmem:$0x1F400] =	vst v63  }
0x52: {  	s0 =	rddreg [dreg:$0xf];
	s31 =	simm.s32 $0x1A980  }
0x53: {  	[tilespmem:s31], [sflag:$0xE] =	stream.linear.gather [hbm4b:s0+s5], $0x48, $0x38;
	[tilespmem:$0x1F400] =	vst v63  }
0x54: {  	s31 =	rddreg [dreg:$0x10]  }
0x55: {  	[tilespmem:s23], [sflag:$0xE] =	stream.linear.gather [hbm4b:s31+s5], $0x48, $0x38;
	[tilespmem:$0x1F400] =	vst v63  }
0x56: {  	s31 =	simm.s32 $0x1  }
0x57: {  	_ =	swait.ge [sflag:s31], $0x48  }
0x58: {  	[sflag:s31] =	ssyncset.done $0x0  }
0x59: {  	[sflag:s31] =	ssyncadd.s32 $0xFFFFFFB8;
	s31 =	simm.s32 $0x13A00  }
0x5a: {  	[tilespmem:s31], [sflag:$0x3] =	stream.indirect.gather [hbm4b:s2+s11], $0x80, s3, s11, $0xb8;
	[tilespmem:$0x1F400] =	vst v63  }
0x5b: {  	s31 =	simm.s32 $0x5  }
0x5c: {  	_ =	swait.ge [sflag:s31], $0x48  }
0x5d: {  	[sflag:s31] =	ssyncset.done $0x0  }
0x5e: {  	s3 =	simm.s32 $0x15F80;
	[sflag:s31] =	ssyncadd.s32 $0xFFFFFFB8  }
0x5f: {  	[tilespmem:s3], [sflag:$0x7] =	stream.indirect.gather [hbm4b:s2+s11], $0x80, s10, s11, $0xb8;
	[tilespmem:$0x1F400] =	vst v63  }
0x60: {  	s10 =	simm.s32 $0x9  }
0x61: {  	_ =	swait.ge [sflag:s10], $0x48  }
0x62: {  	s0 =	simm.s32 $0x0;
	[sflag:s10] =	ssyncset.done $0x0  }
0x63: {  	s31 =	simm.s32 $0x18500;
	s3 =	simm.s32 $0x200;
	[sflag:s10] =	ssyncadd.s32 $0xFFFFFFB8  }
0x64: {  	[tilespmem:s31], [sflag:$0xB] =	stream.indirect.gather [hbm4b:s2+s11], $0x80, s30, s11, $0xb8;
	[tilespmem:$0x1F400] =	vst v63  }
.LBB2_2:
0x65: {  	p1 =	sne.s32 s3, $0x8E00;
	[tilespmem:s0+$0x1D070] =	vst v0  }
0x66: {  	[tilespmem:s0+$0x1D000] =	vst v0  }
0x67: {  	[tilespmem:s0+$0x1D010] =	vst v0  }
.Ltmp2:
0x68: {  	[tilespmem:s0+$0x1D020] =	vst v0;
	(pc) =	sbr.rel @p1 .LBB2_2-.Ltmp2, $4  }
0x69: {  	[tilespmem:s0+$0x1D030] =	vst v0  }
0x6a: {  	[tilespmem:s0+$0x1D040] =	vst v0  }
0x6b: {  	[tilespmem:s0+$0x1D050] =	vst v0  }
0x6c: {  	[tilespmem:s0+$0x1D060] =	vst v0;
	s0 =	sshra.s32 s3, $0x2;
	s3 =	sadd.s32 $0x200, s3  }
0x6d: {  	[tilespmem:s0+$0x1D070] =	vst v0  }
0x6e: {  	[tilespmem:s0+$0x1D000] =	vst v0  }
0x6f: {  	[tilespmem:s0+$0x1D010] =	vst v0  }
0x70: {  	[tilespmem:s0+$0x1D020] =	vst v0  }
0x71: {  	[tilespmem:s0+$0x1D030] =	vst v0  }
0x72: {  	[tilespmem:s0+$0x1D040] =	vst v0  }
0x73: {  	[tilespmem:s0+$0x1D050] =	vst v0  }
0x74: {  	[tilespmem:s0+$0x1D060] =	vst v0;
	s3 =	simm.s32 $0x1D000;
	s10 =	simm.s32 $0x15  }
0x75: {  	[spmem:s15] =	stream.linear.scatter [tilespmem:s3], [sflag:$0x15], $0x2400, $0x38;
	[tilespmem:$0x1F400] =	vst v63  }
0x76: {  	_ =	swait.ge [sflag:s10], $0x2400  }
0x77: {  	[sflag:s10] =	ssyncset.done $0x0  }
0x78: {  	s15 =	rddreg [dreg:$0x18];
	[sflag:s10] =	ssyncadd.s32 $0xFFFFDC00  }
0x79: {  	[spmem:s15] =	stream.linear.scatter [tilespmem:s3], [sflag:$0x15], $0x2400, $0x38;
	[tilespmem:$0x1F400] =	vst v63  }
0x7a: {  	_ =	swait.ge [sflag:s10], $0x2400  }
0x7b: {  	[sflag:s10] =	ssyncset.done $0x0  }
0x7c: {  	s30 =	rddreg [dreg:$0x19];
	[sflag:s10] =	ssyncadd.s32 $0xFFFFDC00  }
0x7d: {  	[spmem:s30] =	stream.linear.scatter [tilespmem:s3], [sflag:$0x15], $0x2400, $0x38;
	[tilespmem:$0x1F400] =	vst v63  }
0x7e: {  	_ =	swait.ge [sflag:s10], $0x2400  }
0x7f: {  	[sflag:s10] =	ssyncset.done $0x0  }
0x80: {  	s15 =	rddreg [dreg:$0x1a];
	[sflag:s10] =	ssyncadd.s32 $0xFFFFDC00  }
0x81: {  	[spmem:s15] =	stream.linear.scatter [tilespmem:s3], [sflag:$0x15], $0x2400, $0x38;
	[tilespmem:$0x1F400] =	vst v63  }
0x82: {  	_ =	swait.ge [sflag:s10], $0x2400  }
0x83: {  	[sflag:s10] =	ssyncset.done $0x0  }
0x84: {  	s30 =	rddreg [dreg:$0x1b];
	[sflag:s10] =	ssyncadd.s32 $0xFFFFDC00  }
0x85: {  	[spmem:s30] =	stream.linear.scatter [tilespmem:s3], [sflag:$0x15], $0x2400, $0x38;
	[tilespmem:$0x1F400] =	vst v63  }
0x86: {  	_ =	swait.ge [sflag:s10], $0x2400  }
0x87: {  	[sflag:s10] =	ssyncset.done $0x0  }
0x88: {  	s15 =	rddreg [dreg:$0x1c];
	[sflag:s10] =	ssyncadd.s32 $0xFFFFDC00  }
0x89: {  	[spmem:s15] =	stream.linear.scatter [tilespmem:s3], [sflag:$0x15], $0x2400, $0x38;
	[tilespmem:$0x1F400] =	vst v63  }
0x8a: {  	_ =	swait.ge [sflag:s10], $0x2400  }
0x8b: {  	[sflag:s10] =	ssyncset.done $0x0  }
0x8c: {  	s30 =	rddreg [dreg:$0x1d];
	[sflag:s10] =	ssyncadd.s32 $0xFFFFDC00  }
0x8d: {  	[spmem:s30] =	stream.linear.scatter [tilespmem:s3], [sflag:$0x15], $0x2400, $0x38;
	[tilespmem:$0x1F400] =	vst v63  }
0x8e: {  	_ =	swait.ge [sflag:s10], $0x2400  }
0x8f: {  	[sflag:s10] =	ssyncset.done $0x0  }
0x90: {  	s15 =	rddreg [dreg:$0x1e];
	[sflag:s10] =	ssyncadd.s32 $0xFFFFDC00  }
0x91: {  	[spmem:s15] =	stream.linear.scatter [tilespmem:s3], [sflag:$0x15], $0x2400, $0x38;
	[tilespmem:$0x1F400] =	vst v63  }
0x92: {  	_ =	swait.ge [sflag:s10], $0x2400  }
0x93: {  	[sflag:s10] =	ssyncset.done $0x0  }
0x94: {  	s30 =	rddreg [dreg:$0x13];
	[sflag:s10] =	ssyncadd.s32 $0xFFFFDC00  }
0x95: {  	[spmem:s30] =	stream.linear.scatter [tilespmem:s3], [sflag:$0x15], $0x1800, $0x38;
	[tilespmem:$0x1F400] =	vst v63  }
0x96: {  	_ =	swait.ge [sflag:s10], $0x1800  }
0x97: {  	[sflag:s10] =	ssyncset.done $0x0  }
0x98: {  	s0 =	simm.s32 @!p0 $0x1D000;
	[sflag:s10] =	ssyncadd.s32 $0xFFFFE800  }
0x99: {  	[spmem:s21] =	stream.linear.scatter @!p0 [tilespmem:s0], [sflag:$0x15], $0x800, $0x38;
	[tilespmem:$0x1F400] =	vst v63  }
0x9a: {  	s0 =	simm.s32 @!p0 $0x15  }
0x9b: {  	_ =	swait.ge @!p0 [sflag:s0], $0x800  }
0x9c: {  	[sflag:s0] =	ssyncset.done @!p0 $0x0  }
0x9d: {  	[sflag:s0] =	ssyncadd.s32 @!p0 $0xFFFFF800  }
0x9e: {  	s31 =	simm.s32 $0x0;
	[bflag:$0x0] =	sbarrier.arrive $0xFFFF  }
.LBB2_4:
0x9f: {  	s0 =	simm.s32 $0xD  }
0xa0: {  	_ =	swait.ge [sflag:s0], $0x48  }
0xa1: {  	s30 =	smul.u32 $0x5, s31;
	s10 =	simm.s32 $0x1A900;
	[sflag:s0] =	ssyncset.done $0x0  }
0xa2: {  	s3 =	simm.s32 $0x1AA80;
	s15 =	rddreg [dreg:$0x17];
	[sflag:s0] =	ssyncadd.s32 $0xFFFFFFB8  }
0xa3: {  	[tilespmem:s3], [sflag:$0xF] =	stream.indirect.gather [hbm4b:s2+s11], $0x80, s10, s11, $0xb8;
	[tilespmem:$0x1F400] =	vst v63  }
0xa4: {  	s0 =	sadd.s32 s30, s15;
	s10 =	simm.s32 $0x3  }
0xa5: {  	s3 =	smul.u32 $0x9, s0;
	_ =	swait.ge [sflag:s10], $0x2400  }
0xa6: {  	s21 =	simm.s32 $0x1CE80;
	[sflag:s10] =	ssyncset.done $0x0  }
0xa7: {  	s15 =	simm.s32 $0x0;
	s0 =	sadd.s32 s1, s3;
	[sflag:s10] =	ssyncadd.s32 $0xFFFFDC00  }
0xa8: {  	[tilespmem:s21], [sflag:$0x11] =	stream.linear.gather [hbm4b:s0+s15], $0x48, $0x38;
	[tilespmem:$0x1F400] =	vst v63  }
0xa9: {  	_ =	swait.ge [sflag:s14], $0x48  }
0xaa: {  	[sflag:s14] =	ssyncset.done $0x0  }
0xab: {  	[sflag:s14] =	ssyncadd.s32 $0xFFFFFFB8  }
0xac: {  	_ =	swait.ge [sflag:s14], $0x48  }
0xad: {  	v1 =	vmov s15;
	[sflag:s14] =	ssyncset.done $0x0  }
0xae: {  	s10 =	simm.s32 $0x13A40;
	[sflag:s14] =	ssyncadd.s32 $0xFFFFFFB8  }
0xaf: {  	v5 =	vld [tilespmem:s10+$0x30]  }
0xb0: {  	v8 =	vld [tilespmem:s10+$0x10]  }
0xb1: {  	v6 =	vld [tilespmem:s10+$0xFFFFFFC0]  }
0xb2: {  	v2 =	vld.idx.msk [tilespmem:v1+s13+$0x0], $0xffff  }
0xb3: {  	v10 =	vld [tilespmem:s10+$0xFFFFFFE0]  }
0xb4: {  	v1 =	vld [tilespmem:s10+$0xFFFFFFF0]  }
0xb5: {  	v3 =	vld [tilespmem:s10+$0x20]  }
0xb6: {  	v4 =	vld [tilespmem:s10+$0xFFFFFFD0]  }
0xb7: {  	v9 =	vmul.f32 v5, v2;
	v5 =	vld [tilespmem:s10+$0x0]  }
0xb8: {  	v7 =	vmul.f32 v6, v2  }
0xb9: {  	s21 =	simm.s32 $0x1;
	s0 =	simm.s32 $0x13A40;
	v6 =	vmul.f32 v10, v2;
	v8 =	vmul.f32 v8, v2  }
.LBB2_5:
0xba: {  	p1 =	sne.s32 s21, $0x47  }
0xbb: {  	v4 =	vmul.f32 v4, v2;
	v3 =	vmul.f32 v3, v2;
	[tilespmem:s10+$0x30] =	vst v9;
	s0 =	sadd.s32 $0x80, s0;
	s15 =	smov.u32 s21;
	s21 =	sadd.s32 $0x1, s21  }
0xbc: {  	[tilespmem:s10+$0xFFFFFFC0] =	vst v7;
	v7 =	vmul.f32 v1, v2;
	v2 =	vmul.f32 v5, v2  }
0xbd: {  	[tilespmem:s10+$0x10] =	vst v8  }
0xbe: {  	v5 =	vmov s15;
	[tilespmem:s10+$0xFFFFFFE0] =	vst v6  }
0xbf: {  	v1 =	vld [tilespmem:s0+$0xFFFFFFF0];
	[tilespmem:s10+$0xFFFFFFF0] =	vst v7  }
0xc0: {  	v6 =	vld [tilespmem:s0+$0x30];
	[tilespmem:s10+$0x0] =	vst v2  }
0xc1: {  	v8 =	vld [tilespmem:s0+$0x10];
	[tilespmem:s10+$0x20] =	vst v3  }
0xc2: {  	v7 =	vld [tilespmem:s0+$0xFFFFFFC0];
	[tilespmem:s10+$0xFFFFFFD0] =	vst v4;
	s10 =	smov.u32 s0  }
0xc3: {  	v2 =	vld.idx.msk [tilespmem:v5+s13+$0x0], $0xffff  }
0xc4: {  	v10 =	vld [tilespmem:s0+$0xFFFFFFE0]  }
0xc5: {  	v3 =	vld [tilespmem:s0+$0x20]  }
.Ltmp3:
0xc6: {  	v4 =	vld [tilespmem:s0+$0xFFFFFFD0];
	(pc) =	sbr.rel @p1 .LBB2_5-.Ltmp3, $3  }
0xc7: {  	v5 =	vld [tilespmem:s0+$0x0];
	_ =	sdelay $0x1  }
0xc8: {  	v7 =	vmul.f32 v7, v2;
	v9 =	vmul.f32 v6, v2  }
0xc9: {  	v8 =	vmul.f32 v8, v2;
	v6 =	vmul.f32 v10, v2  }
0xca: {  	[tilespmem:s10+$0x30] =	vst v9  }
0xcb: {  	[tilespmem:s10+$0xFFFFFFC0] =	vst v7  }
0xcc: {  	v1 =	vmul.f32 v1, v2;
	[tilespmem:s10+$0x10] =	vst v8  }
0xcd: {  	v3 =	vmul.f32 v3, v2;
	[tilespmem:s10+$0xFFFFFFE0] =	vst v6  }
0xce: {  	v5 =	vmul.f32 v5, v2;
	[tilespmem:s10+$0xFFFFFFF0] =	vst v1  }
0xcf: {  	v1 =	vmul.f32 v4, v2;
	[tilespmem:s10+$0x20] =	vst v3  }
0xd0: {  	[tilespmem:s10+$0x0] =	vst v5  }
0xd1: {  	s0 =	simm.s32 $0x13900;
	s21 =	simm.s32 $0x13A00;
	p1 =	seq.s32 s31, $0x0;
	[tilespmem:s10+$0xFFFFFFD0] =	vst v1  }
0xd2: {  	[spmem:s4] =	stream.indirect.scatter.add.f32 [tilespmem:s21], [sflag:$0x4], $0x80, s0, s11, $0xb8;
	[tilespmem:$0x1F400] =	vst v63  }
0xd3: {  	s0 =	simm.s32 @!p1 $0x14  }
0xd4: {  	_ =	swait.ge @!p1 [sflag:s0], $0x2400  }
0xd5: {  	[sflag:s0] =	ssyncset.done @!p1 $0x0  }
0xd6: {  	s15 =	sadd.s32 s6, s3;
	s21 =	simm.s32 $0x1CF00;
	[sflag:s0] =	ssyncadd.s32 @!p1 $0xFFFFDC00  }
0xd7: {  	[tilespmem:s21], [sflag:$0x12] =	stream.linear.gather [hbm4b:s15+s5], $0x48, $0x38;
	[tilespmem:$0x1F400] =	vst v63  }
0xd8: {  	s15 =	sadd.s32 s7, s3;
	s21 =	simm.s32 $0x11  }
0xd9: {  	[tilespmem:s26], [sflag:$0x12] =	stream.linear.gather [hbm4b:s15+s5], $0x48, $0x38;
	[tilespmem:$0x1F400] =	vst v63  }
0xda: {  	s10 =	simm.s32 $0x1CE80;
	s0 =	sadd.s32 $0x5, s30;
	_ =	swait.ge [sflag:s21], $0x48  }
0xdb: {  	p1 =	seq.s32 s31, $0x1B;
	s3 =	simm.s32 $0x1D000;
	[sflag:s21] =	ssyncset.done $0x0  }
0xdc: {  	s0 =	sadd.s32 @!p1 s8, s0;
	s15 =	simm.s32 $0x7;
	[sflag:s21] =	ssyncadd.s32 $0xFFFFFFB8  }
0xdd: {  	[tilespmem:s3], [sflag:$0x13] =	stream.indirect.gather [hbm4b:s2+s11], $0x80, s10, s11, $0xb8;
	[tilespmem:$0x1F400] =	vst v63  }
0xde: {  	s3 =	smul.u32 @!p1 $0x9, s0;
	_ =	swait.ge [sflag:s15], $0x2400  }
0xdf: {  	s10 =	simm.s32 @!p1 $0x0;
	[sflag:s15] =	ssyncset.done $0x0  }
0xe0: {  	s0 =	sadd.s32 @!p1 s1, s3;
	[sflag:s15] =	ssyncadd.s32 $0xFFFFDC00;
	s15 =	simm.s32 @!p1 $0x13880  }
0xe1: {  	[tilespmem:s15], [sflag:$0x1] =	stream.linear.gather @!p1 [hbm4b:s0+s10], $0x48, $0x38;
	[tilespmem:$0x1F400] =	vst v63  }
0xe2: {  	_ =	swait.ge [sflag:s12], $0x48  }
0xe3: {  	[sflag:s12] =	ssyncset.done $0x0  }
0xe4: {  	[sflag:s12] =	ssyncadd.s32 $0xFFFFFFB8  }
0xe5: {  	s21 =	simm.s32 $0x0;
	_ =	swait.ge [sflag:s12], $0x48  }
0xe6: {  	v1 =	vmov s21;
	[sflag:s12] =	ssyncset.done $0x0  }
0xe7: {  	s10 =	simm.s32 $0x15FC0;
	[sflag:s12] =	ssyncadd.s32 $0xFFFFFFB8  }
0xe8: {  	v5 =	vld [tilespmem:s10+$0x30]  }
0xe9: {  	v8 =	vld [tilespmem:s10+$0x10]  }
0xea: {  	v6 =	vld [tilespmem:s10+$0xFFFFFFC0]  }
0xeb: {  	v2 =	vld.idx.msk [tilespmem:v1+s16+$0x0], $0xffff  }
0xec: {  	v10 =	vld [tilespmem:s10+$0xFFFFFFE0]  }
0xed: {  	v1 =	vld [tilespmem:s10+$0xFFFFFFF0]  }
0xee: {  	v3 =	vld [tilespmem:s10+$0x20]  }
0xef: {  	v4 =	vld [tilespmem:s10+$0xFFFFFFD0]  }
0xf0: {  	v9 =	vmul.f32 v5, v2;
	v5 =	vld [tilespmem:s10+$0x0]  }
0xf1: {  	v7 =	vmul.f32 v6, v2  }
0xf2: {  	s21 =	simm.s32 $0x1;
	s0 =	simm.s32 $0x15FC0;
	v6 =	vmul.f32 v10, v2;
	v8 =	vmul.f32 v8, v2  }
.LBB2_7:
0xf3: {  	p2 =	sne.s32 s21, $0x47  }
0xf4: {  	v4 =	vmul.f32 v4, v2;
	v3 =	vmul.f32 v3, v2;
	[tilespmem:s10+$0x30] =	vst v9;
	s0 =	sadd.s32 $0x80, s0;
	s15 =	smov.u32 s21;
	s21 =	sadd.s32 $0x1, s21  }
0xf5: {  	[tilespmem:s10+$0xFFFFFFC0] =	vst v7;
	v7 =	vmul.f32 v1, v2;
	v2 =	vmul.f32 v5, v2  }
0xf6: {  	[tilespmem:s10+$0x10] =	vst v8  }
0xf7: {  	v5 =	vmov s15;
	[tilespmem:s10+$0xFFFFFFE0] =	vst v6  }
0xf8: {  	v1 =	vld [tilespmem:s0+$0xFFFFFFF0];
	[tilespmem:s10+$0xFFFFFFF0] =	vst v7  }
0xf9: {  	v6 =	vld [tilespmem:s0+$0x30];
	[tilespmem:s10+$0x0] =	vst v2  }
0xfa: {  	v8 =	vld [tilespmem:s0+$0x10];
	[tilespmem:s10+$0x20] =	vst v3  }
0xfb: {  	v7 =	vld [tilespmem:s0+$0xFFFFFFC0];
	[tilespmem:s10+$0xFFFFFFD0] =	vst v4;
	s10 =	smov.u32 s0  }
0xfc: {  	v2 =	vld.idx.msk [tilespmem:v5+s16+$0x0], $0xffff  }
0xfd: {  	v10 =	vld [tilespmem:s0+$0xFFFFFFE0]  }
0xfe: {  	v3 =	vld [tilespmem:s0+$0x20]  }
.Ltmp4:
0xff: {  	v4 =	vld [tilespmem:s0+$0xFFFFFFD0];
	(pc) =	sbr.rel @p2 .LBB2_7-.Ltmp4, $3  }
0x100: {  	v5 =	vld [tilespmem:s0+$0x0];
	_ =	sdelay $0x1  }
0x101: {  	v7 =	vmul.f32 v7, v2;
	v9 =	vmul.f32 v6, v2  }
0x102: {  	v8 =	vmul.f32 v8, v2;
	v6 =	vmul.f32 v10, v2  }
0x103: {  	[tilespmem:s10+$0x30] =	vst v9  }
0x104: {  	[tilespmem:s10+$0xFFFFFFC0] =	vst v7  }
0x105: {  	v1 =	vmul.f32 v1, v2;
	[tilespmem:s10+$0x10] =	vst v8  }
0x106: {  	v3 =	vmul.f32 v3, v2;
	[tilespmem:s10+$0xFFFFFFE0] =	vst v6  }
0x107: {  	v5 =	vmul.f32 v5, v2;
	[tilespmem:s10+$0xFFFFFFF0] =	vst v1  }
0x108: {  	v1 =	vmul.f32 v4, v2;
	[tilespmem:s10+$0x20] =	vst v3  }
0x109: {  	[tilespmem:s10+$0x0] =	vst v5  }
0x10a: {  	s0 =	simm.s32 $0x15E80;
	s21 =	simm.s32 $0x15F80;
	s15 =	simm.s32 $0x4;
	[tilespmem:s10+$0xFFFFFFD0] =	vst v1  }
0x10b: {  	[spmem:s4] =	stream.indirect.scatter.add.f32 [tilespmem:s21], [sflag:$0x8], $0x80, s0, s11, $0xb8;
	[tilespmem:$0x1F400] =	vst v63  }
0x10c: {  	_ =	swait.ge [sflag:s15], $0x2400  }
0x10d: {  	s10 =	simm.s32 @!p1 $0x0;
	[sflag:s15] =	ssyncset.done $0x0  }
0x10e: {  	s0 =	sadd.s32 @!p1 s6, s3;
	[sflag:s15] =	ssyncadd.s32 $0xFFFFDC00;
	s15 =	simm.s32 @!p1 $0x13900  }
0x10f: {  	[tilespmem:s15], [sflag:$0x2] =	stream.linear.gather @!p1 [hbm4b:s0+s10], $0x48, $0x38;
	[tilespmem:$0x1F400] =	vst v63  }
0x110: {  	s0 =	sadd.s32 @!p1 s7, s3;
	s3 =	simm.s32 @!p1 $0x13980  }
0x111: {  	[tilespmem:s3], [sflag:$0x2] =	stream.linear.gather @!p1 [hbm4b:s0+s10], $0x48, $0x38;
	[tilespmem:$0x1F400] =	vst v63  }
0x112: {  	s0 =	simm.s32 @!p1 $0x1  }
0x113: {  	_ =	swait.ge @!p1 [sflag:s0], $0x48  }
0x114: {  	s15 =	simm.s32 @!p1 $0x13A00;
	[sflag:s0] =	ssyncset.done @!p1 $0x0  }
0x115: {  	s3 =	simm.s32 @!p1 $0x13880;
	[sflag:s0] =	ssyncadd.s32 @!p1 $0xFFFFFFB8;
	s0 =	simm.s32 @!p1 $0x48  }
0x116: {  	[tilespmem:s15], [sflag:$0x3] =	stream.indirect.gather @!p1 [hbm4b:s2+s0], $0x80, s3, s0, $0xb8;
	[tilespmem:$0x1F400] =	vst v63  }
0x117: {  	s0 =	sadd.s32 $0x6, s30  }
0x118: {  	s0 =	sadd.s32 @!p1 s8, s0  }
0x119: {  	_ =	swait.ge [sflag:s18], $0x2400;
	s3 =	smul.u32 @!p1 $0x9, s0  }
0x11a: {  	[sflag:s18] =	ssyncset.done $0x0  }
0x11b: {  	s15 =	simm.s32 @!p1 $0x15E00;
	[sflag:s18] =	ssyncadd.s32 $0xFFFFDC00;
	s0 =	sadd.s32 @!p1 s1, s3  }
0x11c: {  	[tilespmem:s15], [sflag:$0x5] =	stream.linear.gather @!p1 [hbm4b:s0+s10], $0x48, $0x38;
	[tilespmem:$0x1F400] =	vst v63  }
0x11d: {  	_ =	swait.ge [sflag:s20], $0x48  }
0x11e: {  	[sflag:s20] =	ssyncset.done $0x0  }
0x11f: {  	[sflag:s20] =	ssyncadd.s32 $0xFFFFFFB8  }
0x120: {  	s21 =	simm.s32 $0x0;
	_ =	swait.ge [sflag:s20], $0x48  }
0x121: {  	v1 =	vmov s21;
	[sflag:s20] =	ssyncset.done $0x0  }
0x122: {  	s10 =	simm.s32 $0x18540;
	[sflag:s20] =	ssyncadd.s32 $0xFFFFFFB8  }
0x123: {  	v5 =	vld [tilespmem:s10+$0x30]  }
0x124: {  	v8 =	vld [tilespmem:s10+$0x10]  }
0x125: {  	v6 =	vld [tilespmem:s10+$0xFFFFFFC0]  }
0x126: {  	v2 =	vld.idx.msk [tilespmem:v1+s19+$0x0], $0xffff  }
0x127: {  	v10 =	vld [tilespmem:s10+$0xFFFFFFE0]  }
0x128: {  	v1 =	vld [tilespmem:s10+$0xFFFFFFF0]  }
0x129: {  	v3 =	vld [tilespmem:s10+$0x20]  }
0x12a: {  	v4 =	vld [tilespmem:s10+$0xFFFFFFD0]  }
0x12b: {  	v9 =	vmul.f32 v5, v2;
	v5 =	vld [tilespmem:s10+$0x0]  }
0x12c: {  	v7 =	vmul.f32 v6, v2  }
0x12d: {  	s21 =	simm.s32 $0x1;
	s0 =	simm.s32 $0x18540;
	v6 =	vmul.f32 v10, v2;
	v8 =	vmul.f32 v8, v2  }
.LBB2_9:
0x12e: {  	p2 =	sne.s32 s21, $0x47  }
0x12f: {  	v4 =	vmul.f32 v4, v2;
	v3 =	vmul.f32 v3, v2;
	[tilespmem:s10+$0x30] =	vst v9;
	s0 =	sadd.s32 $0x80, s0;
	s15 =	smov.u32 s21;
	s21 =	sadd.s32 $0x1, s21  }
0x130: {  	[tilespmem:s10+$0xFFFFFFC0] =	vst v7;
	v7 =	vmul.f32 v1, v2;
	v2 =	vmul.f32 v5, v2  }
0x131: {  	[tilespmem:s10+$0x10] =	vst v8  }
0x132: {  	v5 =	vmov s15;
	[tilespmem:s10+$0xFFFFFFE0] =	vst v6  }
0x133: {  	v1 =	vld [tilespmem:s0+$0xFFFFFFF0];
	[tilespmem:s10+$0xFFFFFFF0] =	vst v7  }
0x134: {  	v6 =	vld [tilespmem:s0+$0x30];
	[tilespmem:s10+$0x0] =	vst v2  }
0x135: {  	v8 =	vld [tilespmem:s0+$0x10];
	[tilespmem:s10+$0x20] =	vst v3  }
0x136: {  	v7 =	vld [tilespmem:s0+$0xFFFFFFC0];
	[tilespmem:s10+$0xFFFFFFD0] =	vst v4;
	s10 =	smov.u32 s0  }
0x137: {  	v2 =	vld.idx.msk [tilespmem:v5+s19+$0x0], $0xffff  }
0x138: {  	v10 =	vld [tilespmem:s0+$0xFFFFFFE0]  }
0x139: {  	v3 =	vld [tilespmem:s0+$0x20]  }
.Ltmp5:
0x13a: {  	v4 =	vld [tilespmem:s0+$0xFFFFFFD0];
	(pc) =	sbr.rel @p2 .LBB2_9-.Ltmp5, $3  }
0x13b: {  	v5 =	vld [tilespmem:s0+$0x0];
	_ =	sdelay $0x1  }
0x13c: {  	v7 =	vmul.f32 v7, v2;
	v9 =	vmul.f32 v6, v2  }
0x13d: {  	v8 =	vmul.f32 v8, v2;
	v6 =	vmul.f32 v10, v2  }
0x13e: {  	[tilespmem:s10+$0x30] =	vst v9  }
0x13f: {  	[tilespmem:s10+$0xFFFFFFC0] =	vst v7  }
0x140: {  	v1 =	vmul.f32 v1, v2;
	[tilespmem:s10+$0x10] =	vst v8  }
0x141: {  	v3 =	vmul.f32 v3, v2;
	[tilespmem:s10+$0xFFFFFFE0] =	vst v6  }
0x142: {  	v5 =	vmul.f32 v5, v2;
	[tilespmem:s10+$0xFFFFFFF0] =	vst v1  }
0x143: {  	v1 =	vmul.f32 v4, v2;
	[tilespmem:s10+$0x20] =	vst v3  }
0x144: {  	[tilespmem:s10+$0x0] =	vst v5  }
0x145: {  	s0 =	simm.s32 $0x18400;
	s15 =	simm.s32 $0x18500;
	[tilespmem:s10+$0xFFFFFFD0] =	vst v1  }
0x146: {  	[spmem:s4] =	stream.indirect.scatter.add.f32 [tilespmem:s15], [sflag:$0xC], $0x80, s0, s11, $0xb8;
	[tilespmem:$0x1F400] =	vst v63  }
0x147: {  	_ =	swait.ge [sflag:s25], $0x2400  }
0x148: {  	s10 =	simm.s32 @!p1 $0x0;
	[sflag:s25] =	ssyncset.done $0x0  }
0x149: {  	s0 =	sadd.s32 @!p1 s6, s3;
	s15 =	simm.s32 @!p1 $0x15E80;
	[sflag:s25] =	ssyncadd.s32 $0xFFFFDC00  }
0x14a: {  	[tilespmem:s15], [sflag:$0x6] =	stream.linear.gather @!p1 [hbm4b:s0+s10], $0x48, $0x38;
	[tilespmem:$0x1F400] =	vst v63  }
0x14b: {  	s0 =	sadd.s32 @!p1 s7, s3;
	s3 =	simm.s32 @!p1 $0x15F00  }
0x14c: {  	[tilespmem:s3], [sflag:$0x6] =	stream.linear.gather @!p1 [hbm4b:s0+s10], $0x48, $0x38;
	[tilespmem:$0x1F400] =	vst v63  }
0x14d: {  	s0 =	simm.s32 @!p1 $0x5  }
0x14e: {  	_ =	swait.ge @!p1 [sflag:s0], $0x48  }
0x14f: {  	s15 =	simm.s32 @!p1 $0x15F80;
	[sflag:s0] =	ssyncset.done @!p1 $0x0  }
0x150: {  	s3 =	simm.s32 @!p1 $0x15E00;
	[sflag:s0] =	ssyncadd.s32 @!p1 $0xFFFFFFB8;
	s0 =	simm.s32 @!p1 $0x48  }
0x151: {  	[tilespmem:s15], [sflag:$0x7] =	stream.indirect.gather @!p1 [hbm4b:s2+s0], $0x80, s3, s0, $0xb8;
	[tilespmem:$0x1F400] =	vst v63  }
0x152: {  	s0 =	sadd.s32 $0x7, s30  }
0x153: {  	s0 =	sadd.s32 @!p1 s8, s0  }
0x154: {  	_ =	swait.ge [sflag:s29], $0x2400;
	s3 =	smul.u32 @!p1 $0x9, s0  }
0x155: {  	[sflag:s29] =	ssyncset.done $0x0  }
0x156: {  	s15 =	simm.s32 @!p1 $0x18380;
	[sflag:s29] =	ssyncadd.s32 $0xFFFFDC00;
	s0 =	sadd.s32 @!p1 s1, s3  }
0x157: {  	[tilespmem:s15], [sflag:$0x9] =	stream.linear.gather @!p1 [hbm4b:s0+s10], $0x48, $0x38;
	[tilespmem:$0x1F400] =	vst v63  }
0x158: {  	_ =	swait.ge [sflag:s17], $0x48  }
0x159: {  	[sflag:s17] =	ssyncset.done $0x0  }
0x15a: {  	[sflag:s17] =	ssyncadd.s32 $0xFFFFFFB8  }
0x15b: {  	s21 =	simm.s32 $0x0;
	_ =	swait.ge [sflag:s17], $0x48  }
0x15c: {  	v1 =	vmov s21;
	[sflag:s17] =	ssyncset.done $0x0  }
0x15d: {  	s10 =	simm.s32 $0x1AAC0;
	[sflag:s17] =	ssyncadd.s32 $0xFFFFFFB8  }
0x15e: {  	v5 =	vld [tilespmem:s10+$0x30]  }
0x15f: {  	v8 =	vld [tilespmem:s10+$0x10]  }
0x160: {  	v6 =	vld [tilespmem:s10+$0xFFFFFFC0]  }
0x161: {  	v2 =	vld.idx.msk [tilespmem:v1+s23+$0x0], $0xffff  }
0x162: {  	v10 =	vld [tilespmem:s10+$0xFFFFFFE0]  }
0x163: {  	v1 =	vld [tilespmem:s10+$0xFFFFFFF0]  }
0x164: {  	v3 =	vld [tilespmem:s10+$0x20]  }
0x165: {  	v4 =	vld [tilespmem:s10+$0xFFFFFFD0]  }
0x166: {  	v9 =	vmul.f32 v5, v2;
	v5 =	vld [tilespmem:s10+$0x0]  }
0x167: {  	v7 =	vmul.f32 v6, v2  }
0x168: {  	s21 =	simm.s32 $0x1;
	s0 =	simm.s32 $0x1AAC0;
	v6 =	vmul.f32 v10, v2;
	v8 =	vmul.f32 v8, v2  }
.LBB2_11:
0x169: {  	p2 =	sne.s32 s21, $0x47  }
0x16a: {  	v4 =	vmul.f32 v4, v2;
	v3 =	vmul.f32 v3, v2;
	[tilespmem:s10+$0x30] =	vst v9;
	s0 =	sadd.s32 $0x80, s0;
	s15 =	smov.u32 s21;
	s21 =	sadd.s32 $0x1, s21  }
0x16b: {  	[tilespmem:s10+$0xFFFFFFC0] =	vst v7;
	v7 =	vmul.f32 v1, v2;
	v2 =	vmul.f32 v5, v2  }
0x16c: {  	[tilespmem:s10+$0x10] =	vst v8  }
0x16d: {  	v5 =	vmov s15;
	[tilespmem:s10+$0xFFFFFFE0] =	vst v6  }
0x16e: {  	v1 =	vld [tilespmem:s0+$0xFFFFFFF0];
	[tilespmem:s10+$0xFFFFFFF0] =	vst v7  }
0x16f: {  	v6 =	vld [tilespmem:s0+$0x30];
	[tilespmem:s10+$0x0] =	vst v2  }
0x170: {  	v8 =	vld [tilespmem:s0+$0x10];
	[tilespmem:s10+$0x20] =	vst v3  }
0x171: {  	v7 =	vld [tilespmem:s0+$0xFFFFFFC0];
	[tilespmem:s10+$0xFFFFFFD0] =	vst v4;
	s10 =	smov.u32 s0  }
0x172: {  	v2 =	vld.idx.msk [tilespmem:v5+s23+$0x0], $0xffff  }
0x173: {  	v10 =	vld [tilespmem:s0+$0xFFFFFFE0]  }
0x174: {  	v3 =	vld [tilespmem:s0+$0x20]  }
.Ltmp6:
0x175: {  	v4 =	vld [tilespmem:s0+$0xFFFFFFD0];
	(pc) =	sbr.rel @p2 .LBB2_11-.Ltmp6, $3  }
0x176: {  	v5 =	vld [tilespmem:s0+$0x0];
	_ =	sdelay $0x1  }
0x177: {  	v7 =	vmul.f32 v7, v2;
	v9 =	vmul.f32 v6, v2  }
0x178: {  	v8 =	vmul.f32 v8, v2;
	v6 =	vmul.f32 v10, v2  }
0x179: {  	[tilespmem:s10+$0x30] =	vst v9  }
0x17a: {  	[tilespmem:s10+$0xFFFFFFC0] =	vst v7  }
0x17b: {  	v1 =	vmul.f32 v1, v2;
	[tilespmem:s10+$0x10] =	vst v8  }
0x17c: {  	v3 =	vmul.f32 v3, v2;
	[tilespmem:s10+$0xFFFFFFE0] =	vst v6  }
0x17d: {  	v5 =	vmul.f32 v5, v2;
	[tilespmem:s10+$0xFFFFFFF0] =	vst v1  }
0x17e: {  	v1 =	vmul.f32 v4, v2;
	[tilespmem:s10+$0x20] =	vst v3  }
0x17f: {  	[tilespmem:s10+$0x0] =	vst v5  }
0x180: {  	s0 =	simm.s32 $0x1A980;
	s15 =	simm.s32 $0x1AA80;
	[tilespmem:s10+$0xFFFFFFD0] =	vst v1  }
0x181: {  	[spmem:s4] =	stream.indirect.scatter.add.f32 [tilespmem:s15], [sflag:$0x10], $0x80, s0, s11, $0xb8;
	[tilespmem:$0x1F400] =	vst v63  }
0x182: {  	_ =	swait.ge [sflag:s28], $0x2400  }
0x183: {  	s10 =	simm.s32 @!p1 $0x0;
	[sflag:s28] =	ssyncset.done $0x0  }
0x184: {  	s0 =	sadd.s32 @!p1 s6, s3;
	s15 =	simm.s32 @!p1 $0x18400;
	[sflag:s28] =	ssyncadd.s32 $0xFFFFDC00  }
0x185: {  	[tilespmem:s15], [sflag:$0xA] =	stream.linear.gather @!p1 [hbm4b:s0+s10], $0x48, $0x38;
	[tilespmem:$0x1F400] =	vst v63  }
0x186: {  	s0 =	sadd.s32 @!p1 s7, s3;
	s3 =	simm.s32 @!p1 $0x18480  }
0x187: {  	[tilespmem:s3], [sflag:$0xA] =	stream.linear.gather @!p1 [hbm4b:s0+s10], $0x48, $0x38;
	[tilespmem:$0x1F400] =	vst v63  }
0x188: {  	s0 =	simm.s32 @!p1 $0x9  }
0x189: {  	_ =	swait.ge @!p1 [sflag:s0], $0x48  }
0x18a: {  	s30 =	sadd.s32 $0x8, s30;
	s15 =	simm.s32 @!p1 $0x18500;
	[sflag:s0] =	ssyncset.done @!p1 $0x0  }
0x18b: {  	s3 =	simm.s32 @!p1 $0x18380;
	[sflag:s0] =	ssyncadd.s32 @!p1 $0xFFFFFFB8;
	s0 =	simm.s32 @!p1 $0x48  }
0x18c: {  	[tilespmem:s15], [sflag:$0xB] =	stream.indirect.gather @!p1 [hbm4b:s2+s0], $0x80, s3, s0, $0xb8;
	[tilespmem:$0x1F400] =	vst v63  }
0x18d: {  	s0 =	sadd.s32 @!p1 s8, s30  }
0x18e: {  	_ =	swait.ge [sflag:s22], $0x2400;
	s0 =	smul.u32 @!p1 $0x9, s0  }
0x18f: {  	[sflag:s22] =	ssyncset.done $0x0  }
0x190: {  	s3 =	simm.s32 @!p1 $0x1A900;
	[sflag:s22] =	ssyncadd.s32 $0xFFFFDC00;
	s0 =	sadd.s32 @!p1 s1, s0  }
0x191: {  	[tilespmem:s3], [sflag:$0xD] =	stream.linear.gather @!p1 [hbm4b:s0+s10], $0x48, $0x38;
	[tilespmem:$0x1F400] =	vst v63  }
0x192: {  	_ =	swait.ge [sflag:s9], $0x48  }
0x193: {  	[sflag:s9] =	ssyncset.done $0x0  }
0x194: {  	[sflag:s9] =	ssyncadd.s32 $0xFFFFFFB8  }
0x195: {  	s21 =	simm.s32 $0x0;
	_ =	swait.ge [sflag:s9], $0x48  }
0x196: {  	v1 =	vmov s21;
	[sflag:s9] =	ssyncset.done $0x0  }
0x197: {  	s3 =	simm.s32 $0x1D040;
	[sflag:s9] =	ssyncadd.s32 $0xFFFFFFB8  }
0x198: {  	v5 =	vld [tilespmem:s3+$0x30]  }
0x199: {  	v8 =	vld [tilespmem:s3+$0x10]  }
0x19a: {  	v6 =	vld [tilespmem:s3+$0xFFFFFFC0]  }
0x19b: {  	v2 =	vld.idx.msk [tilespmem:v1+s26+$0x0], $0xffff  }
0x19c: {  	v10 =	vld [tilespmem:s3+$0xFFFFFFE0]  }
0x19d: {  	v1 =	vld [tilespmem:s3+$0xFFFFFFF0]  }
0x19e: {  	v3 =	vld [tilespmem:s3+$0x20]  }
0x19f: {  	v4 =	vld [tilespmem:s3+$0xFFFFFFD0]  }
0x1a0: {  	v9 =	vmul.f32 v5, v2;
	v5 =	vld [tilespmem:s3+$0x0]  }
0x1a1: {  	v7 =	vmul.f32 v6, v2  }
0x1a2: {  	s10 =	simm.s32 $0x1;
	s0 =	simm.s32 $0x1D040;
	v6 =	vmul.f32 v10, v2;
	v8 =	vmul.f32 v8, v2  }
.LBB2_13:
0x1a3: {  	p2 =	sne.s32 s10, $0x47  }
0x1a4: {  	v4 =	vmul.f32 v4, v2;
	v3 =	vmul.f32 v3, v2;
	[tilespmem:s3+$0x30] =	vst v9;
	s0 =	sadd.s32 $0x80, s0;
	s15 =	smov.u32 s10;
	s10 =	sadd.s32 $0x1, s10  }
0x1a5: {  	[tilespmem:s3+$0xFFFFFFC0] =	vst v7;
	v7 =	vmul.f32 v1, v2;
	v2 =	vmul.f32 v5, v2  }
0x1a6: {  	[tilespmem:s3+$0x10] =	vst v8  }
0x1a7: {  	v5 =	vmov s15;
	[tilespmem:s3+$0xFFFFFFE0] =	vst v6  }
0x1a8: {  	v1 =	vld [tilespmem:s0+$0xFFFFFFF0];
	[tilespmem:s3+$0xFFFFFFF0] =	vst v7  }
0x1a9: {  	v6 =	vld [tilespmem:s0+$0x30];
	[tilespmem:s3+$0x0] =	vst v2  }
0x1aa: {  	v8 =	vld [tilespmem:s0+$0x10];
	[tilespmem:s3+$0x20] =	vst v3  }
0x1ab: {  	v7 =	vld [tilespmem:s0+$0xFFFFFFC0];
	[tilespmem:s3+$0xFFFFFFD0] =	vst v4;
	s3 =	smov.u32 s0  }
0x1ac: {  	v2 =	vld.idx.msk [tilespmem:v5+s26+$0x0], $0xffff  }
0x1ad: {  	v10 =	vld [tilespmem:s0+$0xFFFFFFE0]  }
0x1ae: {  	v3 =	vld [tilespmem:s0+$0x20]  }
.Ltmp7:
0x1af: {  	v4 =	vld [tilespmem:s0+$0xFFFFFFD0];
	(pc) =	sbr.rel @p2 .LBB2_13-.Ltmp7, $3  }
0x1b0: {  	v5 =	vld [tilespmem:s0+$0x0];
	_ =	sdelay $0x1  }
0x1b1: {  	v7 =	vmul.f32 v7, v2;
	v9 =	vmul.f32 v6, v2  }
0x1b2: {  	v8 =	vmul.f32 v8, v2;
	v6 =	vmul.f32 v10, v2  }
0x1b3: {  	[tilespmem:s3+$0x30] =	vst v9  }
0x1b4: {  	[tilespmem:s3+$0xFFFFFFC0] =	vst v7  }
0x1b5: {  	v1 =	vmul.f32 v1, v2;
	[tilespmem:s3+$0x10] =	vst v8  }
0x1b6: {  	v3 =	vmul.f32 v3, v2;
	[tilespmem:s3+$0xFFFFFFE0] =	vst v6  }
0x1b7: {  	v5 =	vmul.f32 v5, v2;
	[tilespmem:s3+$0xFFFFFFF0] =	vst v1  }
0x1b8: {  	v1 =	vmul.f32 v4, v2;
	[tilespmem:s3+$0x20] =	vst v3  }
0x1b9: {  	[tilespmem:s3+$0x0] =	vst v5  }
.Ltmp8:
0x1ba: {  	s0 =	simm.s32 $0x1D000;
	s21 =	simm.s32 $0x1CF00;
	[tilespmem:s3+$0xFFFFFFD0] =	vst v1;
	(pc) =	sbr.rel @p1 .LBB2_16-.Ltmp8, $4  }
0x1bb: {  	[spmem:s4] =	stream.indirect.scatter.add.f32 [tilespmem:s0], [sflag:$0x14], $0x80, s21, s11, $0xb8;
	[tilespmem:$0x1F400] =	vst v63  }
0x1bc: {  	_ =	swait.ge [sflag:s24], $0x2400  }
0x1bd: {  	[sflag:s24] =	ssyncset.done $0x0  }
0x1be: {  	[sflag:s24] =	ssyncadd.s32 $0xFFFFDC00  }
0x1bf: {  	s0 =	sadd.s32 s8, s30  }
0x1c0: {  	s0 =	smul.u32 $0x9, s0  }
.Ltmp9:
0x1c1: {  	_ = 	snop;
	(pc) =	sbr.rel .LBB2_4-.Ltmp9, $4  }
0x1c2: {  	s10 =	simm.s32 $0x1A980;
	s3 =	sadd.s32 s6, s0  }
0x1c3: {  	[tilespmem:s10], [sflag:$0xE] =	stream.linear.gather [hbm4b:s3+s5], $0x48, $0x38;
	[tilespmem:$0x1F400] =	vst v63  }
0x1c4: {  	s31 =	sadd.s32 $0x1, s31;
	s0 =	sadd.s32 s7, s0  }
0x1c5: {  	[tilespmem:s23], [sflag:$0xE] =	stream.linear.gather [hbm4b:s0+s5], $0x48, $0x38;
	[tilespmem:$0x1F400] =	vst v63  }
.LBB2_17:
0x1c6: {  	_ =	sfence.sel $0x180000  }
0x1c7: {  	[bflag:$0x0] =	sbarrier.arrive $0xFFFF  }
0x1c8: {  	_ =	strace $0x90000047  }
0x1c9: {  	s0 =	stileid.u32;
	[bflag:$0x2] =	sbarrier.arrive $0xFFFF  }
0x1ca: {  	p0 =	sne.s32 s0, $0x0;
	s0 =	rddreg [dreg:$0x4]  }
0x1cb: {  	s0 =	sadd.s32 @!p0 $0x100000, s0  }
0x1cc: {  	[sflag:s0] =	ssyncadd.tile.s32 @!p0 $0x1;
	_ =	shalt  }
.Lfunc_end2:
_tile_overlayer_lowered:
.L_overlay_start_2:
0x1cd: {  	(tag) =	ssettag $0x2  }
0x1ce: {  	s0 =	rddreg [dreg:$0x0];
	s2 =	stileid.u32  }
0x1cf: {  	s1 =	rddreg [dreg:$0x1];
	p0 =	sne.s32 s2, $0x0  }
0x1d0: {  	s3 =	rddreg [dreg:$0x2];
	[bflag:$0x3] =	sbarrier.arrive $0xFFFF;
	s2 =	simm.s32 @!p0 $0x1C15  }
0x1d1: {  	[timem:s3], [sflag:s2] =	dma.local @!p0 [hbm:s0], s1  }
0x1d2: {  	s0 =	simm.s32 @!p0 $0x15  }
0x1d3: {  	_ =	swait.ge @!p0 [sflag:s0], s1  }
0x1d4: {  	s1 =	ssub.s32 @!p0 $0x0, s1;
	[sflag:s0] =	ssyncset.done @!p0 $0x0  }
0x1d5: {  	[sflag:s0] =	ssyncadd.s32 @!p0 s1  }
0x1d6: {  	[bflag:$0x3] =	sbarrier.arrive $0xFFFF  }
0x1d7: {  	_ =	shalt  }

</sc_bundles>
